<compile_context>
chip_gen: v7x
topology: tpu7x:2x2x1
jax: 0.10.2.dev20260603
libtpu: 0.0.44.dev20260713+nightly
codegen_flags: <defaults>
</compile_context>

<pallas_src>
import functools

import jax
import jax.numpy as jnp
from jax import lax
from jax.experimental import pallas as pl
from jax.experimental.pallas import tpu as pltpu
from jax.experimental.pallas import tpu_sc as plsc

VOCAB = 1000
EMB_DIM = 128
HID = 8
HID_P = 16
ROW = 128
VPAD = 1024
NC = 2
NS = 16
NW = NC * NS
CHUNK = 128
TILE = 2048
VMAIN = 896
VTAIL = VOCAB - VMAIN


def _table_body(embp_ref, wa_ref, wb_ref, t_ref):
    dn = (((1,), (1,)), ((), ()))
    t_ref[0:VPAD, :] = lax.dot_general(
        embp_ref[...], wa_ref[...], dn,
        preferred_element_type=jnp.float32)[:, 0:HID_P]
    t_ref[VPAD:2 * VPAD, :] = lax.dot_general(
        embp_ref[...], wb_ref[...], dn,
        preferred_element_type=jnp.float32)[:, 0:HID_P]


def _build_table(embp, wa, wb):
    return pl.pallas_call(
        _table_body,
        out_shape=jax.ShapeDtypeStruct((2 * VPAD, HID_P), jnp.float32),
    )(embp, wa, wb)


def _sc_gather(table, idx0, idx1, nt):
    bpw = nt // NW
    nch = bpw // CHUNK
    mesh = plsc.VectorSubcoreMesh(core_axis_name="c", subcore_axis_name="s")

    @functools.partial(
        pl.kernel, mesh=mesh,
        compiler_params=pltpu.CompilerParams(use_tc_tiling_on_sc=False),
        out_type=jax.ShapeDtypeStruct((nt, HID_P), jnp.float32),
        scratch_types=[
            pltpu.VMEM((nch, CHUNK), jnp.int32),
            pltpu.VMEM((nch, CHUNK), jnp.int32),
            pltpu.VMEM((bpw, HID_P), jnp.float32),
            pltpu.VMEM((bpw, HID_P), jnp.float32),
            pltpu.SemaphoreType.DMA,
        ],
    )
    def gather_k(table_hbm, idx0_hbm, idx1_hbm, out_hbm,
                 i0_v, i1_v, g0_v, g1_v, sem):
        wid = lax.axis_index("s") * NC + lax.axis_index("c")
        pltpu.sync_copy(idx0_hbm.at[pl.ds(wid * nch, nch)], i0_v)
        pltpu.sync_copy(idx1_hbm.at[pl.ds(wid * nch, nch)], i1_v)
        copies = []
        for j in range(nch):
            copies.append(pltpu.async_copy(
                table_hbm.at[i0_v.at[j]], g0_v.at[pl.ds(j * CHUNK, CHUNK)], sem))
            copies.append(pltpu.async_copy(
                table_hbm.at[i1_v.at[j]], g1_v.at[pl.ds(j * CHUNK, CHUNK)], sem))
        for c in copies:
            c.wait()

        def body(i, carry):
            for k in range(4):
                r = i * 4 + k
                g0_v[r, :] = g0_v[r, :] + g1_v[r, :]
            return carry

        lax.fori_loop(0, bpw // 4, body, 0)
        pltpu.sync_copy(g0_v, out_hbm.at[pl.ds(wid * bpw, bpw)])

    return gather_k(table, idx0, idx1)


def _mlp_body(h_ref, w2_ref, b1_ref, b2_ref, out_ref):
    ht = jnp.tanh(h_ref[...] + b1_ref[...])
    dn = (((1,), (1,)), ((), ()))
    acc = lax.dot_general(ht, w2_ref[...], dn, preferred_element_type=jnp.float32)
    out_ref[...] = acc + b2_ref[...]


def kernel(x, emb, fc1_w, fc1_b, fc2_w, fc2_b):
    x = x.astype(jnp.int32)
    batch = x.shape[0]

    embp = jnp.pad(emb, ((0, VPAD - VOCAB), (0, 0)))
    w1p = jnp.pad(fc1_w, ((0, ROW - HID), (0, 0)))
    table = _build_table(embp, w1p[:, :EMB_DIM], w1p[:, EMB_DIM:])

    idx0 = x[:, 0].reshape(batch // CHUNK, CHUNK)
    idx1 = (x[:, 1] + VPAD).reshape(batch // CHUNK, CHUNK)
    h = _sc_gather(table, idx0, idx1, batch)

    w2p = jnp.pad(fc2_w, ((0, 0), (0, HID_P - HID)))
    b1p = jnp.pad(fc1_b, (0, HID_P - HID)).reshape(1, HID_P)
    b2 = fc2_b.reshape(1, VOCAB)

    out1024 = pl.pallas_call(
        _mlp_body,
        grid=(batch // TILE,),
        in_specs=[
            pl.BlockSpec((TILE, HID_P), lambda i: (i, 0)),
            pl.BlockSpec((VPAD, HID_P), lambda i: (0, 0)),
            pl.BlockSpec((1, HID_P), lambda i: (0, 0)),
            pl.BlockSpec((1, VPAD), lambda i: (0, 0)),
        ],
        out_specs=pl.BlockSpec((TILE, VPAD), lambda i: (i, 0)),
        out_shape=jax.ShapeDtypeStruct((batch, VPAD), jnp.float32),
    )(h, jnp.pad(w2p, ((0, VPAD - VOCAB), (0, 0))),
      b1p, jnp.pad(b2, ((0, 0), (0, VPAD - VOCAB))))
    return lax.slice(out1024, (0, 0), (batch, VOCAB))

# --- scband reference (transcript-rebuilt; emitter-appended) ---
"""Pipeline reference for scband-nnlm-model-8495445311674 (READ-ONLY COPY).

The authoritative reference and input builder live on the scoring server;
editing this copy changes nothing except your own understanding.
"""

import jax, jax.numpy as jnp
import numpy as np

VOCAB = 1000
EMB_DIM = 128
BATCH = 16384
CTX = 2
HID = 8

def setup_inputs(seed: int = 0) -> dict:
    key = jax.random.key(seed)
    k1, k2, k3, k4, k5, k6 = jax.random.split(key, 6)
    x = jax.random.randint(k1, (BATCH, CTX), 0, VOCAB, dtype=jnp.int64 if jax.config.jax_enable_x64 else jnp.int32)
    emb = jax.random.normal(k2, (VOCAB, EMB_DIM), dtype=jnp.float32)
    fc1_w = jax.random.normal(k3, (HID, CTX * EMB_DIM), dtype=jnp.float32) * 0.05
    fc1_b = jax.random.normal(k4, (HID,), dtype=jnp.float32) * 0.05
    fc2_w = jax.random.normal(k5, (VOCAB, HID), dtype=jnp.float32) * 0.05
    fc2_b = jax.random.normal(k6, (VOCAB,), dtype=jnp.float32) * 0.05
    return {"x": x, "emb": emb, "fc1_w": fc1_w, "fc1_b": fc1_b, "fc2_w": fc2_w, "fc2_b": fc2_b}

def reference(x, emb, fc1_w, fc1_b, fc2_w, fc2_b):
    # nn.Embedding lookup -> gather rows of the table
    e = jnp.take(emb, x, axis=0)                 # [B, 2, EMB_DIM]
    h = e.reshape(e.shape[0], -1)                # [B, 2*EMB_DIM]
    h = h @ fc1_w.T + fc1_b                      # Linear(2*tz_size -> 8)
    h = jnp.tanh(h)
    out = h @ fc2_w.T + fc2_b                    # Linear(8 -> vocab)
    return out

if __name__ == "__main__":
    import jax
    _d = setup_inputs()
    print(jax.jit(kernel)(*tuple(_d.values())))

</pallas_src>

<mosaic_0001>
#map = affine_map<(d0, d1) -> (0, 0)>
module attributes {stable_mosaic.version = 14 : i64} {
  func.func @gather_k(%arg0: i32, %arg1: i32, %arg2: memref<2048x16xf32, #tpu.memory_space<hbm>>, %arg3: memref<128x128xi32, #tpu.memory_space<hbm>>, %arg4: memref<128x128xi32, #tpu.memory_space<hbm>>, %arg5: memref<16384x16xf32, #tpu.memory_space<hbm>>, %arg6: memref<4x128xi32, #tpu.memory_space<vmem>>, %arg7: memref<4x128xi32, #tpu.memory_space<vmem>>, %arg8: memref<512x16xf32, #tpu.memory_space<vmem>>, %arg9: memref<512x16xf32, #tpu.memory_space<vmem>>, %arg10: memref<!tpu.dma_semaphore, #tpu.memory_space<semaphore_mem>>) attributes {dimension_semantics = [#tpu.dimension_semantics<core_parallel>, #tpu.dimension_semantics<subcore_parallel>], iteration_bounds = array<i64: 2, 16>, scalar_prefetch = 0 : i64, scratch_operands = 5 : i64, tpu.core_type = #tpu.core_type<sc_vector_subcore>, window_params = [{transform_indices = #map}, {transform_indices = #map}, {transform_indices = #map}, {transform_indices = #map}]} {
    %mul3A = arith.constant 2 : i32
    %mul3A_0 = arith.muli %arg1, %mul3A : i32
    %add3A = arith.addi %mul3A_0, %arg0 : i32
    %mul3A_1 = arith.constant 4 : i32
    %mul3A_2 = arith.muli %add3A, %mul3A_1 : i32
    "tpu.region"() ({
      %run_scoped3A = tpu.sem_alloc : memref<!tpu.dma_semaphore, #tpu.memory_space<semaphore_mem>>
      %dma_start3A_170 = arith.constant 0 : i32
      %dma_start3A_171 = tpu.memref_slice %arg3[%mul3A_2, %dma_start3A_170] : memref<128x128xi32, #tpu.memory_space<hbm>> -> memref<4x128xi32, #tpu.memory_space<hbm>>
      %dma_start3A_172 = arith.constant 0 : i32
      %dma_start3A_173 = tpu.memref_slice %arg3[%mul3A_2, %dma_start3A_172] : memref<128x128xi32, #tpu.memory_space<hbm>> -> memref<4x128xi32, #tpu.memory_space<hbm>>
      tpu.enqueue_dma source(%dma_start3A_173 : memref<4x128xi32, #tpu.memory_space<hbm>>) target(%arg6 : memref<4x128xi32, #tpu.memory_space<vmem>>) target_semaphore(%run_scoped3A : memref<!tpu.dma_semaphore, #tpu.memory_space<semaphore_mem>>)
      %dma_wait3A_174 = arith.constant 0 : i32
      %dma_wait3A_175 = tpu.memref_slice %arg3[%mul3A_2, %dma_wait3A_174] : memref<128x128xi32, #tpu.memory_space<hbm>> -> memref<4x128xi32, #tpu.memory_space<hbm>>
      %dma_wait3A_176 = arith.constant 0 : i32
      %dma_wait3A_177 = tpu.memref_slice %arg3[%mul3A_2, %dma_wait3A_176] : memref<128x128xi32, #tpu.memory_space<hbm>> -> memref<4x128xi32, #tpu.memory_space<hbm>>
      tpu.wait_dma2 semaphore(%run_scoped3A : memref<!tpu.dma_semaphore, #tpu.memory_space<semaphore_mem>>) src(%dma_wait3A_177 : memref<4x128xi32, #tpu.memory_space<hbm>>) dst(%arg6 : memref<4x128xi32, #tpu.memory_space<vmem>>)
      tpu.yield
    }) : () -> ()
    %mul3A_3 = arith.constant 4 : i32
    %mul3A_4 = arith.muli %add3A, %mul3A_3 : i32
    "tpu.region"() ({
      %run_scoped3A = tpu.sem_alloc : memref<!tpu.dma_semaphore, #tpu.memory_space<semaphore_mem>>
      %dma_start3A_170 = arith.constant 0 : i32
      %dma_start3A_171 = tpu.memref_slice %arg4[%mul3A_4, %dma_start3A_170] : memref<128x128xi32, #tpu.memory_space<hbm>> -> memref<4x128xi32, #tpu.memory_space<hbm>>
      %dma_start3A_172 = arith.constant 0 : i32
      %dma_start3A_173 = tpu.memref_slice %arg4[%mul3A_4, %dma_start3A_172] : memref<128x128xi32, #tpu.memory_space<hbm>> -> memref<4x128xi32, #tpu.memory_space<hbm>>
      tpu.enqueue_dma source(%dma_start3A_173 : memref<4x128xi32, #tpu.memory_space<hbm>>) target(%arg7 : memref<4x128xi32, #tpu.memory_space<vmem>>) target_semaphore(%run_scoped3A : memref<!tpu.dma_semaphore, #tpu.memory_space<semaphore_mem>>)
      %dma_wait3A_174 = arith.constant 0 : i32
      %dma_wait3A_175 = tpu.memref_slice %arg4[%mul3A_4, %dma_wait3A_174] : memref<128x128xi32, #tpu.memory_space<hbm>> -> memref<4x128xi32, #tpu.memory_space<hbm>>
      %dma_wait3A_176 = arith.constant 0 : i32
      %dma_wait3A_177 = tpu.memref_slice %arg4[%mul3A_4, %dma_wait3A_176] : memref<128x128xi32, #tpu.memory_space<hbm>> -> memref<4x128xi32, #tpu.memory_space<hbm>>
      tpu.wait_dma2 semaphore(%run_scoped3A : memref<!tpu.dma_semaphore, #tpu.memory_space<semaphore_mem>>) src(%dma_wait3A_177 : memref<4x128xi32, #tpu.memory_space<hbm>>) dst(%arg7 : memref<4x128xi32, #tpu.memory_space<vmem>>)
      tpu.yield
    }) : () -> ()
    %dma_start3A = arith.constant 0 : i32
    %dma_start3A_5 = arith.constant 0 : i32
    %dma_start3A_6 = arith.constant 0 : i32
    %dma_start3A_7 = tpu.memref_slice %arg8[%dma_start3A_5, %dma_start3A_6] : memref<512x16xf32, #tpu.memory_space<vmem>> -> memref<128x16xf32, #tpu.memory_space<vmem>>
    %dma_start3A_8 = arith.constant 0 : i32
    %dma_start3A_9 = tpu.memref_slice %arg6[%dma_start3A, %dma_start3A_8] : memref<4x128xi32, #tpu.memory_space<vmem>> -> memref<1x128xi32, #tpu.memory_space<vmem>>
    %dma_start3A_10 = tpu.memref_squeeze %dma_start3A_9 : memref<1x128xi32, #tpu.memory_space<vmem>> -> memref<128xi32, #tpu.memory_space<vmem>>
    %dma_start3A_11 = arith.constant 0 : i32
    %dma_start3A_12 = arith.constant 0 : i32
    %dma_start3A_13 = tpu.memref_slice %arg2[%dma_start3A_11, %dma_start3A_12] : memref<2048x16xf32, #tpu.memory_space<hbm>> -> memref<2048x16xf32, #tpu.memory_space<hbm>>
    tpu.enqueue_indirect_dma source(%dma_start3A_13 : memref<2048x16xf32, #tpu.memory_space<hbm>>) target(%dma_start3A_7 : memref<128x16xf32, #tpu.memory_space<vmem>>) offsets(%dma_start3A_10 : memref<128xi32, #tpu.memory_space<vmem>>) semaphore(%arg10 : memref<!tpu.dma_semaphore, #tpu.memory_space<semaphore_mem>>)
    %dma_start3A_14 = arith.constant 0 : i32
    %dma_start3A_15 = arith.constant 0 : i32
    %dma_start3A_16 = arith.constant 0 : i32
    %dma_start3A_17 = tpu.memref_slice %arg9[%dma_start3A_15, %dma_start3A_16] : memref<512x16xf32, #tpu.memory_space<vmem>> -> memref<128x16xf32, #tpu.memory_space<vmem>>
    %dma_start3A_18 = arith.constant 0 : i32
    %dma_start3A_19 = tpu.memref_slice %arg7[%dma_start3A_14, %dma_start3A_18] : memref<4x128xi32, #tpu.memory_space<vmem>> -> memref<1x128xi32, #tpu.memory_space<vmem>>
    %dma_start3A_20 = tpu.memref_squeeze %dma_start3A_19 : memref<1x128xi32, #tpu.memory_space<vmem>> -> memref<128xi32, #tpu.memory_space<vmem>>
    %dma_start3A_21 = arith.constant 0 : i32
    %dma_start3A_22 = arith.constant 0 : i32
    %dma_start3A_23 = tpu.memref_slice %arg2[%dma_start3A_21, %dma_start3A_22] : memref<2048x16xf32, #tpu.memory_space<hbm>> -> memref<2048x16xf32, #tpu.memory_space<hbm>>
    tpu.enqueue_indirect_dma source(%dma_start3A_23 : memref<2048x16xf32, #tpu.memory_space<hbm>>) target(%dma_start3A_17 : memref<128x16xf32, #tpu.memory_space<vmem>>) offsets(%dma_start3A_20 : memref<128xi32, #tpu.memory_space<vmem>>) semaphore(%arg10 : memref<!tpu.dma_semaphore, #tpu.memory_space<semaphore_mem>>)
    %dma_start3A_24 = arith.constant 1 : i32
    %dma_start3A_25 = arith.constant 128 : i32
    %dma_start3A_26 = arith.constant 0 : i32
    %dma_start3A_27 = tpu.memref_slice %arg8[%dma_start3A_25, %dma_start3A_26] : memref<512x16xf32, #tpu.memory_space<vmem>> -> memref<128x16xf32, #tpu.memory_space<vmem>>
    %dma_start3A_28 = arith.constant 0 : i32
    %dma_start3A_29 = tpu.memref_slice %arg6[%dma_start3A_24, %dma_start3A_28] : memref<4x128xi32, #tpu.memory_space<vmem>> -> memref<1x128xi32, #tpu.memory_space<vmem>>
    %dma_start3A_30 = tpu.memref_squeeze %dma_start3A_29 : memref<1x128xi32, #tpu.memory_space<vmem>> -> memref<128xi32, #tpu.memory_space<vmem>>
    %dma_start3A_31 = arith.constant 0 : i32
    %dma_start3A_32 = arith.constant 0 : i32
    %dma_start3A_33 = tpu.memref_slice %arg2[%dma_start3A_31, %dma_start3A_32] : memref<2048x16xf32, #tpu.memory_space<hbm>> -> memref<2048x16xf32, #tpu.memory_space<hbm>>
    tpu.enqueue_indirect_dma source(%dma_start3A_33 : memref<2048x16xf32, #tpu.memory_space<hbm>>) target(%dma_start3A_27 : memref<128x16xf32, #tpu.memory_space<vmem>>) offsets(%dma_start3A_30 : memref<128xi32, #tpu.memory_space<vmem>>) semaphore(%arg10 : memref<!tpu.dma_semaphore, #tpu.memory_space<semaphore_mem>>)
    %dma_start3A_34 = arith.constant 1 : i32
    %dma_start3A_35 = arith.constant 128 : i32
    %dma_start3A_36 = arith.constant 0 : i32
    %dma_start3A_37 = tpu.memref_slice %arg9[%dma_start3A_35, %dma_start3A_36] : memref<512x16xf32, #tpu.memory_space<vmem>> -> memref<128x16xf32, #tpu.memory_space<vmem>>
    %dma_start3A_38 = arith.constant 0 : i32
    %dma_start3A_39 = tpu.memref_slice %arg7[%dma_start3A_34, %dma_start3A_38] : memref<4x128xi32, #tpu.memory_space<vmem>> -> memref<1x128xi32, #tpu.memory_space<vmem>>
    %dma_start3A_40 = tpu.memref_squeeze %dma_start3A_39 : memref<1x128xi32, #tpu.memory_space<vmem>> -> memref<128xi32, #tpu.memory_space<vmem>>
    %dma_start3A_41 = arith.constant 0 : i32
    %dma_start3A_42 = arith.constant 0 : i32
    %dma_start3A_43 = tpu.memref_slice %arg2[%dma_start3A_41, %dma_start3A_42] : memref<2048x16xf32, #tpu.memory_space<hbm>> -> memref<2048x16xf32, #tpu.memory_space<hbm>>
    tpu.enqueue_indirect_dma source(%dma_start3A_43 : memref<2048x16xf32, #tpu.memory_space<hbm>>) target(%dma_start3A_37 : memref<128x16xf32, #tpu.memory_space<vmem>>) offsets(%dma_start3A_40 : memref<128xi32, #tpu.memory_space<vmem>>) semaphore(%arg10 : memref<!tpu.dma_semaphore, #tpu.memory_space<semaphore_mem>>)
    %dma_start3A_44 = arith.constant 2 : i32
    %dma_start3A_45 = arith.constant 256 : i32
    %dma_start3A_46 = arith.constant 0 : i32
    %dma_start3A_47 = tpu.memref_slice %arg8[%dma_start3A_45, %dma_start3A_46] : memref<512x16xf32, #tpu.memory_space<vmem>> -> memref<128x16xf32, #tpu.memory_space<vmem>>
    %dma_start3A_48 = arith.constant 0 : i32
    %dma_start3A_49 = tpu.memref_slice %arg6[%dma_start3A_44, %dma_start3A_48] : memref<4x128xi32, #tpu.memory_space<vmem>> -> memref<1x128xi32, #tpu.memory_space<vmem>>
    %dma_start3A_50 = tpu.memref_squeeze %dma_start3A_49 : memref<1x128xi32, #tpu.memory_space<vmem>> -> memref<128xi32, #tpu.memory_space<vmem>>
    %dma_start3A_51 = arith.constant 0 : i32
    %dma_start3A_52 = arith.constant 0 : i32
    %dma_start3A_53 = tpu.memref_slice %arg2[%dma_start3A_51, %dma_start3A_52] : memref<2048x16xf32, #tpu.memory_space<hbm>> -> memref<2048x16xf32, #tpu.memory_space<hbm>>
    tpu.enqueue_indirect_dma source(%dma_start3A_53 : memref<2048x16xf32, #tpu.memory_space<hbm>>) target(%dma_start3A_47 : memref<128x16xf32, #tpu.memory_space<vmem>>) offsets(%dma_start3A_50 : memref<128xi32, #tpu.memory_space<vmem>>) semaphore(%arg10 : memref<!tpu.dma_semaphore, #tpu.memory_space<semaphore_mem>>)
    %dma_start3A_54 = arith.constant 2 : i32
    %dma_start3A_55 = arith.constant 256 : i32
    %dma_start3A_56 = arith.constant 0 : i32
    %dma_start3A_57 = tpu.memref_slice %arg9[%dma_start3A_55, %dma_start3A_56] : memref<512x16xf32, #tpu.memory_space<vmem>> -> memref<128x16xf32, #tpu.memory_space<vmem>>
    %dma_start3A_58 = arith.constant 0 : i32
    %dma_start3A_59 = tpu.memref_slice %arg7[%dma_start3A_54, %dma_start3A_58] : memref<4x128xi32, #tpu.memory_space<vmem>> -> memref<1x128xi32, #tpu.memory_space<vmem>>
    %dma_start3A_60 = tpu.memref_squeeze %dma_start3A_59 : memref<1x128xi32, #tpu.memory_space<vmem>> -> memref<128xi32, #tpu.memory_space<vmem>>
    %dma_start3A_61 = arith.constant 0 : i32
    %dma_start3A_62 = arith.constant 0 : i32
    %dma_start3A_63 = tpu.memref_slice %arg2[%dma_start3A_61, %dma_start3A_62] : memref<2048x16xf32, #tpu.memory_space<hbm>> -> memref<2048x16xf32, #tpu.memory_space<hbm>>
    tpu.enqueue_indirect_dma source(%dma_start3A_63 : memref<2048x16xf32, #tpu.memory_space<hbm>>) target(%dma_start3A_57 : memref<128x16xf32, #tpu.memory_space<vmem>>) offsets(%dma_start3A_60 : memref<128xi32, #tpu.memory_space<vmem>>) semaphore(%arg10 : memref<!tpu.dma_semaphore, #tpu.memory_space<semaphore_mem>>)
    %dma_start3A_64 = arith.constant 3 : i32
    %dma_start3A_65 = arith.constant 384 : i32
    %dma_start3A_66 = arith.constant 0 : i32
    %dma_start3A_67 = tpu.memref_slice %arg8[%dma_start3A_65, %dma_start3A_66] : memref<512x16xf32, #tpu.memory_space<vmem>> -> memref<128x16xf32, #tpu.memory_space<vmem>>
    %dma_start3A_68 = arith.constant 0 : i32
    %dma_start3A_69 = tpu.memref_slice %arg6[%dma_start3A_64, %dma_start3A_68] : memref<4x128xi32, #tpu.memory_space<vmem>> -> memref<1x128xi32, #tpu.memory_space<vmem>>
    %dma_start3A_70 = tpu.memref_squeeze %dma_start3A_69 : memref<1x128xi32, #tpu.memory_space<vmem>> -> memref<128xi32, #tpu.memory_space<vmem>>
    %dma_start3A_71 = arith.constant 0 : i32
    %dma_start3A_72 = arith.constant 0 : i32
    %dma_start3A_73 = tpu.memref_slice %arg2[%dma_start3A_71, %dma_start3A_72] : memref<2048x16xf32, #tpu.memory_space<hbm>> -> memref<2048x16xf32, #tpu.memory_space<hbm>>
    tpu.enqueue_indirect_dma source(%dma_start3A_73 : memref<2048x16xf32, #tpu.memory_space<hbm>>) target(%dma_start3A_67 : memref<128x16xf32, #tpu.memory_space<vmem>>) offsets(%dma_start3A_70 : memref<128xi32, #tpu.memory_space<vmem>>) semaphore(%arg10 : memref<!tpu.dma_semaphore, #tpu.memory_space<semaphore_mem>>)
    %dma_start3A_74 = arith.constant 3 : i32
    %dma_start3A_75 = arith.constant 384 : i32
    %dma_start3A_76 = arith.constant 0 : i32
    %dma_start3A_77 = tpu.memref_slice %arg9[%dma_start3A_75, %dma_start3A_76] : memref<512x16xf32, #tpu.memory_space<vmem>> -> memref<128x16xf32, #tpu.memory_space<vmem>>
    %dma_start3A_78 = arith.constant 0 : i32
    %dma_start3A_79 = tpu.memref_slice %arg7[%dma_start3A_74, %dma_start3A_78] : memref<4x128xi32, #tpu.memory_space<vmem>> -> memref<1x128xi32, #tpu.memory_space<vmem>>
    %dma_start3A_80 = tpu.memref_squeeze %dma_start3A_79 : memref<1x128xi32, #tpu.memory_space<vmem>> -> memref<128xi32, #tpu.memory_space<vmem>>
    %dma_start3A_81 = arith.constant 0 : i32
    %dma_start3A_82 = arith.constant 0 : i32
    %dma_start3A_83 = tpu.memref_slice %arg2[%dma_start3A_81, %dma_start3A_82] : memref<2048x16xf32, #tpu.memory_space<hbm>> -> memref<2048x16xf32, #tpu.memory_space<hbm>>
    tpu.enqueue_indirect_dma source(%dma_start3A_83 : memref<2048x16xf32, #tpu.memory_space<hbm>>) target(%dma_start3A_77 : memref<128x16xf32, #tpu.memory_space<vmem>>) offsets(%dma_start3A_80 : memref<128xi32, #tpu.memory_space<vmem>>) semaphore(%arg10 : memref<!tpu.dma_semaphore, #tpu.memory_space<semaphore_mem>>)
    %dma_wait3A = arith.constant 0 : i32
    %dma_wait3A_84 = arith.constant 0 : i32
    %dma_wait3A_85 = arith.constant 0 : i32
    %dma_wait3A_86 = tpu.memref_slice %arg8[%dma_wait3A_84, %dma_wait3A_85] : memref<512x16xf32, #tpu.memory_space<vmem>> -> memref<128x16xf32, #tpu.memory_space<vmem>>
    %dma_wait3A_87 = arith.constant 0 : i32
    %dma_wait3A_88 = tpu.memref_slice %arg6[%dma_wait3A, %dma_wait3A_87] : memref<4x128xi32, #tpu.memory_space<vmem>> -> memref<1x128xi32, #tpu.memory_space<vmem>>
    %dma_wait3A_89 = tpu.memref_squeeze %dma_wait3A_88 : memref<1x128xi32, #tpu.memory_space<vmem>> -> memref<128xi32, #tpu.memory_space<vmem>>
    %dma_wait3A_90 = arith.constant 0 : i32
    %dma_wait3A_91 = arith.constant 0 : i32
    %dma_wait3A_92 = tpu.memref_slice %arg2[%dma_wait3A_90, %dma_wait3A_91] : memref<2048x16xf32, #tpu.memory_space<hbm>> -> memref<2048x16xf32, #tpu.memory_space<hbm>>
    tpu.wait_indirect_dma semaphore(%arg10 : memref<!tpu.dma_semaphore, #tpu.memory_space<semaphore_mem>>) src(%dma_wait3A_92 : memref<2048x16xf32, #tpu.memory_space<hbm>>) dst(%dma_wait3A_86 : memref<128x16xf32, #tpu.memory_space<vmem>>)
    %dma_wait3A_93 = arith.constant 0 : i32
    %dma_wait3A_94 = arith.constant 0 : i32
    %dma_wait3A_95 = arith.constant 0 : i32
    %dma_wait3A_96 = tpu.memref_slice %arg9[%dma_wait3A_94, %dma_wait3A_95] : memref<512x16xf32, #tpu.memory_space<vmem>> -> memref<128x16xf32, #tpu.memory_space<vmem>>
    %dma_wait3A_97 = arith.constant 0 : i32
    %dma_wait3A_98 = tpu.memref_slice %arg7[%dma_wait3A_93, %dma_wait3A_97] : memref<4x128xi32, #tpu.memory_space<vmem>> -> memref<1x128xi32, #tpu.memory_space<vmem>>
    %dma_wait3A_99 = tpu.memref_squeeze %dma_wait3A_98 : memref<1x128xi32, #tpu.memory_space<vmem>> -> memref<128xi32, #tpu.memory_space<vmem>>
    %dma_wait3A_100 = arith.constant 0 : i32
    %dma_wait3A_101 = arith.constant 0 : i32
    %dma_wait3A_102 = tpu.memref_slice %arg2[%dma_wait3A_100, %dma_wait3A_101] : memref<2048x16xf32, #tpu.memory_space<hbm>> -> memref<2048x16xf32, #tpu.memory_space<hbm>>
    tpu.wait_indirect_dma semaphore(%arg10 : memref<!tpu.dma_semaphore, #tpu.memory_space<semaphore_mem>>) src(%dma_wait3A_102 : memref<2048x16xf32, #tpu.memory_space<hbm>>) dst(%dma_wait3A_96 : memref<128x16xf32, #tpu.memory_space<vmem>>)
    %dma_wait3A_103 = arith.constant 1 : i32
    %dma_wait3A_104 = arith.constant 128 : i32
    %dma_wait3A_105 = arith.constant 0 : i32
    %dma_wait3A_106 = tpu.memref_slice %arg8[%dma_wait3A_104, %dma_wait3A_105] : memref<512x16xf32, #tpu.memory_space<vmem>> -> memref<128x16xf32, #tpu.memory_space<vmem>>
    %dma_wait3A_107 = arith.constant 0 : i32
    %dma_wait3A_108 = tpu.memref_slice %arg6[%dma_wait3A_103, %dma_wait3A_107] : memref<4x128xi32, #tpu.memory_space<vmem>> -> memref<1x128xi32, #tpu.memory_space<vmem>>
    %dma_wait3A_109 = tpu.memref_squeeze %dma_wait3A_108 : memref<1x128xi32, #tpu.memory_space<vmem>> -> memref<128xi32, #tpu.memory_space<vmem>>
    %dma_wait3A_110 = arith.constant 0 : i32
    %dma_wait3A_111 = arith.constant 0 : i32
    %dma_wait3A_112 = tpu.memref_slice %arg2[%dma_wait3A_110, %dma_wait3A_111] : memref<2048x16xf32, #tpu.memory_space<hbm>> -> memref<2048x16xf32, #tpu.memory_space<hbm>>
    tpu.wait_indirect_dma semaphore(%arg10 : memref<!tpu.dma_semaphore, #tpu.memory_space<semaphore_mem>>) src(%dma_wait3A_112 : memref<2048x16xf32, #tpu.memory_space<hbm>>) dst(%dma_wait3A_106 : memref<128x16xf32, #tpu.memory_space<vmem>>)
    %dma_wait3A_113 = arith.constant 1 : i32
    %dma_wait3A_114 = arith.constant 128 : i32
    %dma_wait3A_115 = arith.constant 0 : i32
    %dma_wait3A_116 = tpu.memref_slice %arg9[%dma_wait3A_114, %dma_wait3A_115] : memref<512x16xf32, #tpu.memory_space<vmem>> -> memref<128x16xf32, #tpu.memory_space<vmem>>
    %dma_wait3A_117 = arith.constant 0 : i32
    %dma_wait3A_118 = tpu.memref_slice %arg7[%dma_wait3A_113, %dma_wait3A_117] : memref<4x128xi32, #tpu.memory_space<vmem>> -> memref<1x128xi32, #tpu.memory_space<vmem>>
    %dma_wait3A_119 = tpu.memref_squeeze %dma_wait3A_118 : memref<1x128xi32, #tpu.memory_space<vmem>> -> memref<128xi32, #tpu.memory_space<vmem>>
    %dma_wait3A_120 = arith.constant 0 : i32
    %dma_wait3A_121 = arith.constant 0 : i32
    %dma_wait3A_122 = tpu.memref_slice %arg2[%dma_wait3A_120, %dma_wait3A_121] : memref<2048x16xf32, #tpu.memory_space<hbm>> -> memref<2048x16xf32, #tpu.memory_space<hbm>>
    tpu.wait_indirect_dma semaphore(%arg10 : memref<!tpu.dma_semaphore, #tpu.memory_space<semaphore_mem>>) src(%dma_wait3A_122 : memref<2048x16xf32, #tpu.memory_space<hbm>>) dst(%dma_wait3A_116 : memref<128x16xf32, #tpu.memory_space<vmem>>)
    %dma_wait3A_123 = arith.constant 2 : i32
    %dma_wait3A_124 = arith.constant 256 : i32
    %dma_wait3A_125 = arith.constant 0 : i32
    %dma_wait3A_126 = tpu.memref_slice %arg8[%dma_wait3A_124, %dma_wait3A_125] : memref<512x16xf32, #tpu.memory_space<vmem>> -> memref<128x16xf32, #tpu.memory_space<vmem>>
    %dma_wait3A_127 = arith.constant 0 : i32
    %dma_wait3A_128 = tpu.memref_slice %arg6[%dma_wait3A_123, %dma_wait3A_127] : memref<4x128xi32, #tpu.memory_space<vmem>> -> memref<1x128xi32, #tpu.memory_space<vmem>>
    %dma_wait3A_129 = tpu.memref_squeeze %dma_wait3A_128 : memref<1x128xi32, #tpu.memory_space<vmem>> -> memref<128xi32, #tpu.memory_space<vmem>>
    %dma_wait3A_130 = arith.constant 0 : i32
    %dma_wait3A_131 = arith.constant 0 : i32
    %dma_wait3A_132 = tpu.memref_slice %arg2[%dma_wait3A_130, %dma_wait3A_131] : memref<2048x16xf32, #tpu.memory_space<hbm>> -> memref<2048x16xf32, #tpu.memory_space<hbm>>
    tpu.wait_indirect_dma semaphore(%arg10 : memref<!tpu.dma_semaphore, #tpu.memory_space<semaphore_mem>>) src(%dma_wait3A_132 : memref<2048x16xf32, #tpu.memory_space<hbm>>) dst(%dma_wait3A_126 : memref<128x16xf32, #tpu.memory_space<vmem>>)
    %dma_wait3A_133 = arith.constant 2 : i32
    %dma_wait3A_134 = arith.constant 256 : i32
    %dma_wait3A_135 = arith.constant 0 : i32
    %dma_wait3A_136 = tpu.memref_slice %arg9[%dma_wait3A_134, %dma_wait3A_135] : memref<512x16xf32, #tpu.memory_space<vmem>> -> memref<128x16xf32, #tpu.memory_space<vmem>>
    %dma_wait3A_137 = arith.constant 0 : i32
    %dma_wait3A_138 = tpu.memref_slice %arg7[%dma_wait3A_133, %dma_wait3A_137] : memref<4x128xi32, #tpu.memory_space<vmem>> -> memref<1x128xi32, #tpu.memory_space<vmem>>
    %dma_wait3A_139 = tpu.memref_squeeze %dma_wait3A_138 : memref<1x128xi32, #tpu.memory_space<vmem>> -> memref<128xi32, #tpu.memory_space<vmem>>
    %dma_wait3A_140 = arith.constant 0 : i32
    %dma_wait3A_141 = arith.constant 0 : i32
    %dma_wait3A_142 = tpu.memref_slice %arg2[%dma_wait3A_140, %dma_wait3A_141] : memref<2048x16xf32, #tpu.memory_space<hbm>> -> memref<2048x16xf32, #tpu.memory_space<hbm>>
    tpu.wait_indirect_dma semaphore(%arg10 : memref<!tpu.dma_semaphore, #tpu.memory_space<semaphore_mem>>) src(%dma_wait3A_142 : memref<2048x16xf32, #tpu.memory_space<hbm>>) dst(%dma_wait3A_136 : memref<128x16xf32, #tpu.memory_space<vmem>>)
    %dma_wait3A_143 = arith.constant 3 : i32
    %dma_wait3A_144 = arith.constant 384 : i32
    %dma_wait3A_145 = arith.constant 0 : i32
    %dma_wait3A_146 = tpu.memref_slice %arg8[%dma_wait3A_144, %dma_wait3A_145] : memref<512x16xf32, #tpu.memory_space<vmem>> -> memref<128x16xf32, #tpu.memory_space<vmem>>
    %dma_wait3A_147 = arith.constant 0 : i32
    %dma_wait3A_148 = tpu.memref_slice %arg6[%dma_wait3A_143, %dma_wait3A_147] : memref<4x128xi32, #tpu.memory_space<vmem>> -> memref<1x128xi32, #tpu.memory_space<vmem>>
    %dma_wait3A_149 = tpu.memref_squeeze %dma_wait3A_148 : memref<1x128xi32, #tpu.memory_space<vmem>> -> memref<128xi32, #tpu.memory_space<vmem>>
    %dma_wait3A_150 = arith.constant 0 : i32
    %dma_wait3A_151 = arith.constant 0 : i32
    %dma_wait3A_152 = tpu.memref_slice %arg2[%dma_wait3A_150, %dma_wait3A_151] : memref<2048x16xf32, #tpu.memory_space<hbm>> -> memref<2048x16xf32, #tpu.memory_space<hbm>>
    tpu.wait_indirect_dma semaphore(%arg10 : memref<!tpu.dma_semaphore, #tpu.memory_space<semaphore_mem>>) src(%dma_wait3A_152 : memref<2048x16xf32, #tpu.memory_space<hbm>>) dst(%dma_wait3A_146 : memref<128x16xf32, #tpu.memory_space<vmem>>)
    %dma_wait3A_153 = arith.constant 3 : i32
    %dma_wait3A_154 = arith.constant 384 : i32
    %dma_wait3A_155 = arith.constant 0 : i32
    %dma_wait3A_156 = tpu.memref_slice %arg9[%dma_wait3A_154, %dma_wait3A_155] : memref<512x16xf32, #tpu.memory_space<vmem>> -> memref<128x16xf32, #tpu.memory_space<vmem>>
    %dma_wait3A_157 = arith.constant 0 : i32
    %dma_wait3A_158 = tpu.memref_slice %arg7[%dma_wait3A_153, %dma_wait3A_157] : memref<4x128xi32, #tpu.memory_space<vmem>> -> memref<1x128xi32, #tpu.memory_space<vmem>>
    %dma_wait3A_159 = tpu.memref_squeeze %dma_wait3A_158 : memref<1x128xi32, #tpu.memory_space<vmem>> -> memref<128xi32, #tpu.memory_space<vmem>>
    %dma_wait3A_160 = arith.constant 0 : i32
    %dma_wait3A_161 = arith.constant 0 : i32
    %dma_wait3A_162 = tpu.memref_slice %arg2[%dma_wait3A_160, %dma_wait3A_161] : memref<2048x16xf32, #tpu.memory_space<hbm>> -> memref<2048x16xf32, #tpu.memory_space<hbm>>
    tpu.wait_indirect_dma semaphore(%arg10 : memref<!tpu.dma_semaphore, #tpu.memory_space<semaphore_mem>>) src(%dma_wait3A_162 : memref<2048x16xf32, #tpu.memory_space<hbm>>) dst(%dma_wait3A_156 : memref<128x16xf32, #tpu.memory_space<vmem>>)
    %scan3A = arith.constant 0 : i32
    %scan3A_163 = arith.constant 0 : i32
    %scan3A_164 = arith.constant 128 : i32
    %scan3A_165 = arith.addi %scan3A_163, %scan3A_164 : i32
    %scan3A_166 = arith.constant 1 : i32
    scf.for %scan3A_170 = %scan3A_163 to %scan3A_165 step %scan3A_166  : i32 {
      %mul3A_171 = arith.constant 4 : i32
      %mul3A_172 = arith.muli %scan3A_170, %mul3A_171 : i32
      %add3A_173 = arith.constant 0 : i32
      %add3A_174 = arith.addi %mul3A_172, %add3A_173 : i32
      %get3A = arith.index_cast %add3A_174 : i32 to index
      %get3A_175 = arith.constant 0 : index
      %get3A_176 = tpu.vector_load %arg8[%get3A, %get3A_175] {strides = array<i32>} : memref<512x16xf32, #tpu.memory_space<vmem>>, vector<1x16xf32>,
      %get3A_177 = vector.shape_cast %get3A_176 : vector<1x16xf32> to vector<16xf32>
      %get3A_178 = arith.index_cast %add3A_174 : i32 to index
      %get3A_179 = arith.constant 0 : index
      %get3A_180 = tpu.vector_load %arg9[%get3A_178, %get3A_179] {strides = array<i32>} : memref<512x16xf32, #tpu.memory_space<vmem>>, vector<1x16xf32>,
      %get3A_181 = vector.shape_cast %get3A_180 : vector<1x16xf32> to vector<16xf32>
      %add3A_182 = arith.addf %get3A_177, %get3A_181 : vector<16xf32>
      %swap3A = arith.index_cast %add3A_174 : i32 to index
      %swap3A_183 = arith.constant 0 : index
      %swap3A_184 = tpu.vector_load %arg8[%swap3A, %swap3A_183] {strides = array<i32>} : memref<512x16xf32, #tpu.memory_space<vmem>>, vector<1x16xf32>,
      %swap3A_185 = vector.shape_cast %swap3A_184 : vector<1x16xf32> to vector<16xf32>
      %swap3A_186 = vector.shape_cast %add3A_182 : vector<16xf32> to vector<1x16xf32>
      tpu.vector_store %arg8[%swap3A, %swap3A_183], %swap3A_186 {strides = array<i32>} : memref<512x16xf32, #tpu.memory_space<vmem>>, vector<1x16xf32>,
      %mul3A_187 = arith.constant 4 : i32
      %mul3A_188 = arith.muli %scan3A_170, %mul3A_187 : i32
      %add3A_189 = arith.constant 1 : i32
      %add3A_190 = arith.addi %mul3A_188, %add3A_189 : i32
      %get3A_191 = arith.index_cast %add3A_190 : i32 to index
      %get3A_192 = arith.constant 0 : index
      %get3A_193 = tpu.vector_load %arg8[%get3A_191, %get3A_192] {strides = array<i32>} : memref<512x16xf32, #tpu.memory_space<vmem>>, vector<1x16xf32>,
      %get3A_194 = vector.shape_cast %get3A_193 : vector<1x16xf32> to vector<16xf32>
      %get3A_195 = arith.index_cast %add3A_190 : i32 to index
      %get3A_196 = arith.constant 0 : index
      %get3A_197 = tpu.vector_load %arg9[%get3A_195, %get3A_196] {strides = array<i32>} : memref<512x16xf32, #tpu.memory_space<vmem>>, vector<1x16xf32>,
      %get3A_198 = vector.shape_cast %get3A_197 : vector<1x16xf32> to vector<16xf32>
      %add3A_199 = arith.addf %get3A_194, %get3A_198 : vector<16xf32>
      %swap3A_200 = arith.index_cast %add3A_190 : i32 to index
      %swap3A_201 = arith.constant 0 : index
      %swap3A_202 = tpu.vector_load %arg8[%swap3A_200, %swap3A_201] {strides = array<i32>} : memref<512x16xf32, #tpu.memory_space<vmem>>, vector<1x16xf32>,
      %swap3A_203 = vector.shape_cast %swap3A_202 : vector<1x16xf32> to vector<16xf32>
      %swap3A_204 = vector.shape_cast %add3A_199 : vector<16xf32> to vector<1x16xf32>
      tpu.vector_store %arg8[%swap3A_200, %swap3A_201], %swap3A_204 {strides = array<i32>} : memref<512x16xf32, #tpu.memory_space<vmem>>, vector<1x16xf32>,
      %mul3A_205 = arith.constant 4 : i32
      %mul3A_206 = arith.muli %scan3A_170, %mul3A_205 : i32
      %add3A_207 = arith.constant 2 : i32
      %add3A_208 = arith.addi %mul3A_206, %add3A_207 : i32
      %get3A_209 = arith.index_cast %add3A_208 : i32 to index
      %get3A_210 = arith.constant 0 : index
      %get3A_211 = tpu.vector_load %arg8[%get3A_209, %get3A_210] {strides = array<i32>} : memref<512x16xf32, #tpu.memory_space<vmem>>, vector<1x16xf32>,
      %get3A_212 = vector.shape_cast %get3A_211 : vector<1x16xf32> to vector<16xf32>
      %get3A_213 = arith.index_cast %add3A_208 : i32 to index
      %get3A_214 = arith.constant 0 : index
      %get3A_215 = tpu.vector_load %arg9[%get3A_213, %get3A_214] {strides = array<i32>} : memref<512x16xf32, #tpu.memory_space<vmem>>, vector<1x16xf32>,
      %get3A_216 = vector.shape_cast %get3A_215 : vector<1x16xf32> to vector<16xf32>
      %add3A_217 = arith.addf %get3A_212, %get3A_216 : vector<16xf32>
      %swap3A_218 = arith.index_cast %add3A_208 : i32 to index
      %swap3A_219 = arith.constant 0 : index
      %swap3A_220 = tpu.vector_load %arg8[%swap3A_218, %swap3A_219] {strides = array<i32>} : memref<512x16xf32, #tpu.memory_space<vmem>>, vector<1x16xf32>,
      %swap3A_221 = vector.shape_cast %swap3A_220 : vector<1x16xf32> to vector<16xf32>
      %swap3A_222 = vector.shape_cast %add3A_217 : vector<16xf32> to vector<1x16xf32>
      tpu.vector_store %arg8[%swap3A_218, %swap3A_219], %swap3A_222 {strides = array<i32>} : memref<512x16xf32, #tpu.memory_space<vmem>>, vector<1x16xf32>,
      %mul3A_223 = arith.constant 4 : i32
      %mul3A_224 = arith.muli %scan3A_170, %mul3A_223 : i32
      %add3A_225 = arith.constant 3 : i32
      %add3A_226 = arith.addi %mul3A_224, %add3A_225 : i32
      %get3A_227 = arith.index_cast %add3A_226 : i32 to index
      %get3A_228 = arith.constant 0 : index
      %get3A_229 = tpu.vector_load %arg8[%get3A_227, %get3A_228] {strides = array<i32>} : memref<512x16xf32, #tpu.memory_space<vmem>>, vector<1x16xf32>,
      %get3A_230 = vector.shape_cast %get3A_229 : vector<1x16xf32> to vector<16xf32>
      %get3A_231 = arith.index_cast %add3A_226 : i32 to index
      %get3A_232 = arith.constant 0 : index
      %get3A_233 = tpu.vector_load %arg9[%get3A_231, %get3A_232] {strides = array<i32>} : memref<512x16xf32, #tpu.memory_space<vmem>>, vector<1x16xf32>,
      %get3A_234 = vector.shape_cast %get3A_233 : vector<1x16xf32> to vector<16xf32>
      %add3A_235 = arith.addf %get3A_230, %get3A_234 : vector<16xf32>
      %swap3A_236 = arith.index_cast %add3A_226 : i32 to index
      %swap3A_237 = arith.constant 0 : index
      %swap3A_238 = tpu.vector_load %arg8[%swap3A_236, %swap3A_237] {strides = array<i32>} : memref<512x16xf32, #tpu.memory_space<vmem>>, vector<1x16xf32>,
      %swap3A_239 = vector.shape_cast %swap3A_238 : vector<1x16xf32> to vector<16xf32>
      %swap3A_240 = vector.shape_cast %add3A_235 : vector<16xf32> to vector<1x16xf32>
      tpu.vector_store %arg8[%swap3A_236, %swap3A_237], %swap3A_240 {strides = array<i32>} : memref<512x16xf32, #tpu.memory_space<vmem>>, vector<1x16xf32>,
    }
    %scan3A_167 = arith.constant 128 : i32
    %mul3A_168 = arith.constant 512 : i32
    %mul3A_169 = arith.muli %add3A, %mul3A_168 : i32
    "tpu.region"() ({
      %run_scoped3A = tpu.sem_alloc : memref<!tpu.dma_semaphore, #tpu.memory_space<semaphore_mem>>
      %dma_start3A_170 = arith.constant 0 : i32
      %dma_start3A_171 = tpu.memref_slice %arg5[%mul3A_169, %dma_start3A_170] : memref<16384x16xf32, #tpu.memory_space<hbm>> -> memref<512x16xf32, #tpu.memory_space<hbm>>
      %dma_start3A_172 = arith.constant 0 : i32
      %dma_start3A_173 = tpu.memref_slice %arg5[%mul3A_169, %dma_start3A_172] : memref<16384x16xf32, #tpu.memory_space<hbm>> -> memref<512x16xf32, #tpu.memory_space<hbm>>
      tpu.enqueue_dma source(%arg8 : memref<512x16xf32, #tpu.memory_space<vmem>>) target(%dma_start3A_173 : memref<512x16xf32, #tpu.memory_space<hbm>>) target_semaphore(%run_scoped3A : memref<!tpu.dma_semaphore, #tpu.memory_space<semaphore_mem>>)
      %dma_wait3A_174 = arith.constant 0 : i32
      %dma_wait3A_175 = tpu.memref_slice %arg5[%mul3A_169, %dma_wait3A_174] : memref<16384x16xf32, #tpu.memory_space<hbm>> -> memref<512x16xf32, #tpu.memory_space<hbm>>
      %dma_wait3A_176 = arith.constant 0 : i32
      %dma_wait3A_177 = tpu.memref_slice %arg5[%mul3A_169, %dma_wait3A_176] : memref<16384x16xf32, #tpu.memory_space<hbm>> -> memref<512x16xf32, #tpu.memory_space<hbm>>
      tpu.wait_dma2 semaphore(%run_scoped3A : memref<!tpu.dma_semaphore, #tpu.memory_space<semaphore_mem>>) src(%arg8 : memref<512x16xf32, #tpu.memory_space<vmem>>) dst(%dma_wait3A_177 : memref<512x16xf32, #tpu.memory_space<hbm>>)
      tpu.yield
    }) : () -> ()
    return
  }
}

module attributes {stable_mosaic.version = 14 : i64} {
  func.func @_table_body(%arg0: memref<1024x128xf32, #tpu.memory_space<vmem>>, %arg1: memref<128x128xf32, #tpu.memory_space<vmem>>, %arg2: memref<128x128xf32, #tpu.memory_space<vmem>>, %arg3: memref<2048x16xf32, #tpu.memory_space<vmem>>) attributes {dimension_semantics = [], scalar_prefetch = 0 : i64, scratch_operands = 0 : i64, tpu.core_type = #tpu.core_type<tc>} {
    %get3A = arith.constant 0 : index
    %get3A_0 = arith.constant 0 : index
    %get3A_1 = vector.load %arg0[%get3A, %get3A_0] : memref<1024x128xf32, #tpu.memory_space<vmem>>, vector<1024x128xf32>
    %get3A_2 = arith.constant 0 : index
    %get3A_3 = arith.constant 0 : index
    %get3A_4 = vector.load %arg1[%get3A_2, %get3A_3] : memref<128x128xf32, #tpu.memory_space<vmem>>, vector<128x128xf32>
    %dot_general3A = arith.constant dense<0.000000e+00> : vector<1024x128xf32>
    %dot_general3A_5 = tpu.matmul %get3A_1, %get3A_4, %dot_general3A {dimension_numbers = #tpu.dot_dimension_numbers<[1], [1], [0], [0], [0, 0, 1, 0], [], []>, transpose_lhs_hint = false} : vector<1024x128xf32>, vector<128x128xf32>, vector<1024x128xf32> -> vector<1024x128xf32>
    %slice3A = vector.extract_strided_slice %dot_general3A_5 {offsets = [0, 0], sizes = [1024, 16], strides = [1, 1]} : vector<1024x128xf32> to vector<1024x16xf32>
    %swap3A = arith.constant 0 : index
    %swap3A_6 = arith.constant 0 : index
    %swap3A_7 = vector.load %arg3[%swap3A, %swap3A_6] : memref<2048x16xf32, #tpu.memory_space<vmem>>, vector<1024x16xf32>
    tpu.vector_store %arg3[%swap3A, %swap3A_6], %slice3A {strides = array<i32>} : memref<2048x16xf32, #tpu.memory_space<vmem>>, vector<1024x16xf32>,
    %get3A_8 = arith.constant 0 : index
    %get3A_9 = arith.constant 0 : index
    %get3A_10 = vector.load %arg0[%get3A_8, %get3A_9] : memref<1024x128xf32, #tpu.memory_space<vmem>>, vector<1024x128xf32>
    %get3A_11 = arith.constant 0 : index
    %get3A_12 = arith.constant 0 : index
    %get3A_13 = vector.load %arg2[%get3A_11, %get3A_12] : memref<128x128xf32, #tpu.memory_space<vmem>>, vector<128x128xf32>
    %dot_general3A_14 = arith.constant dense<0.000000e+00> : vector<1024x128xf32>
    %dot_general3A_15 = tpu.matmul %get3A_10, %get3A_13, %dot_general3A_14 {dimension_numbers = #tpu.dot_dimension_numbers<[1], [1], [0], [0], [0, 0, 1, 0], [], []>, transpose_lhs_hint = false} : vector<1024x128xf32>, vector<128x128xf32>, vector<1024x128xf32> -> vector<1024x128xf32>
    %slice3A_16 = vector.extract_strided_slice %dot_general3A_15 {offsets = [0, 0], sizes = [1024, 16], strides = [1, 1]} : vector<1024x128xf32> to vector<1024x16xf32>
    %swap3A_17 = arith.constant 1024 : index
    %swap3A_18 = arith.constant 0 : index
    %swap3A_19 = vector.load %arg3[%swap3A_17, %swap3A_18] : memref<2048x16xf32, #tpu.memory_space<vmem>>, vector<1024x16xf32>
    tpu.vector_store %arg3[%swap3A_17, %swap3A_18], %slice3A_16 {strides = array<i32>} : memref<2048x16xf32, #tpu.memory_space<vmem>>, vector<1024x16xf32>,
    return
  }
}

module attributes {stable_mosaic.version = 14 : i64} {
  func.func @_mlp_body(%arg0: i32, %arg1: memref<2048x16xf32, #tpu.memory_space<vmem>>, %arg2: memref<1024x16xf32, #tpu.memory_space<vmem>>, %arg3: memref<1x16xf32, #tpu.memory_space<vmem>>, %arg4: memref<1x1024xf32, #tpu.memory_space<vmem>>, %arg5: memref<2048x1024xf32, #tpu.memory_space<vmem>>) attributes {dimension_semantics = [#tpu.dimension_semantics<arbitrary>], iteration_bounds = array<i64: 8>, scalar_prefetch = 0 : i64, scratch_operands = 0 : i64, tpu.core_type = #tpu.core_type<tc>, window_params = [{transform_indices = @transform_0, window_bounds = array<i64: 2048, 16>}, {pipeline_mode = #tpu.pipeline_mode<synchronous>, transform_indices = @transform_1, window_bounds = array<i64: 1024, 16>}, {pipeline_mode = #tpu.pipeline_mode<synchronous>, transform_indices = @transform_2, window_bounds = array<i64: 1, 16>}, {pipeline_mode = #tpu.pipeline_mode<synchronous>, transform_indices = @transform_3, window_bounds = array<i64: 1, 1024>}, {transform_indices = @transform_4, window_bounds = array<i64: 2048, 1024>}]} {
    %get3A = arith.constant 0 : index
    %get3A_0 = arith.constant 0 : index
    %get3A_1 = vector.load %arg1[%get3A, %get3A_0] : memref<2048x16xf32, #tpu.memory_space<vmem>>, vector<2048x16xf32>
    %get3A_2 = arith.constant 0 : index
    %get3A_3 = arith.constant 0 : index
    %get3A_4 = vector.load %arg3[%get3A_2, %get3A_3] : memref<1x16xf32, #tpu.memory_space<vmem>>, vector<1x16xf32>
    %add3A = vector.broadcast %get3A_4 : vector<1x16xf32> to vector<2048x16xf32>
    %add3A_5 = arith.addf %get3A_1, %add3A : vector<2048x16xf32>
    %tanh3A = math.tanh %add3A_5 : vector<2048x16xf32>
    %get3A_6 = arith.constant 0 : index
    %get3A_7 = arith.constant 0 : index
    %get3A_8 = vector.load %arg2[%get3A_6, %get3A_7] : memref<1024x16xf32, #tpu.memory_space<vmem>>, vector<1024x16xf32>
    %dot_general3A = arith.constant dense<0.000000e+00> : vector<2048x1024xf32>
    %dot_general3A_9 = tpu.matmul %tanh3A, %get3A_8, %dot_general3A {dimension_numbers = #tpu.dot_dimension_numbers<[1], [1], [0], [0], [0, 0, 1, 0], [], []>, transpose_lhs_hint = false} : vector<2048x16xf32>, vector<1024x16xf32>, vector<2048x1024xf32> -> vector<2048x1024xf32>
    %get3A_10 = arith.constant 0 : index
    %get3A_11 = arith.constant 0 : index
    %get3A_12 = vector.load %arg4[%get3A_10, %get3A_11] : memref<1x1024xf32, #tpu.memory_space<vmem>>, vector<1x1024xf32>
    %add3A_13 = vector.broadcast %get3A_12 : vector<1x1024xf32> to vector<2048x1024xf32>
    %add3A_14 = arith.addf %dot_general3A_9, %add3A_13 : vector<2048x1024xf32>
    %swap3A = arith.constant 0 : index
    %swap3A_15 = arith.constant 0 : index
    %swap3A_16 = vector.load %arg5[%swap3A, %swap3A_15] : memref<2048x1024xf32, #tpu.memory_space<vmem>>, vector<2048x1024xf32>
    tpu.vector_store %arg5[%swap3A, %swap3A_15], %add3A_14 {strides = array<i32>} : memref<2048x1024xf32, #tpu.memory_space<vmem>>, vector<2048x1024xf32>,
    return
  }
  func.func @transform_0(%arg0: i32) -> (i32, i32) {
    %c0_i32 = arith.constant 0 : i32
    %c0_i32_0 = arith.constant 0 : i32
    return %arg0, %c0_i32 : i32, i32
  }
  func.func @transform_1(%arg0: i32) -> (i32, i32) {
    %c0_i32 = arith.constant 0 : i32
    %c0_i32_0 = arith.constant 0 : i32
    %c0_i32_1 = arith.constant 0 : i32
    return %c0_i32, %c0_i32_0 : i32, i32
  }
  func.func @transform_2(%arg0: i32) -> (i32, i32) {
    %c0_i32 = arith.constant 0 : i32
    %c0_i32_0 = arith.constant 0 : i32
    %c0_i32_1 = arith.constant 0 : i32
    return %c0_i32, %c0_i32_0 : i32, i32
  }
  func.func @transform_3(%arg0: i32) -> (i32, i32) {
    %c0_i32 = arith.constant 0 : i32
    %c0_i32_0 = arith.constant 0 : i32
    %c0_i32_1 = arith.constant 0 : i32
    return %c0_i32, %c0_i32_0 : i32, i32
  }
  func.func @transform_4(%arg0: i32) -> (i32, i32) {
    %c0_i32 = arith.constant 0 : i32
    %c0_i32_0 = arith.constant 0 : i32
    return %arg0, %c0_i32 : i32, i32
  }
}

</mosaic_0001>

<sc_bundles>
// kernel: kernel.5.cloned.1.call-start
scs
__scs_entry_jumppad:
0x0: {  	(pc) =	sbr.rel $0x88, $3  }
0x1: {  	(tag) =	ssettag $0x0;
	lr =	simm.s32 $0x1  }
0x2: {  	[smem:$0x3F9B] =	sst lr;
	_ =	strace $0xD0000000  }
0x3: {  	_ = 	snop  }
0x4: {  	_ = 	snop  }
0x5: {  	_ = 	snop  }
0x6: {  	_ = 	snop  }
0x7: {  	_ = 	snop  }
__scs_overlays_trampoline_lowered:
0x8: {  	[smem:$0x3FAA] =	sst s0  }
0x9: {  	[smem:$0x3FAB] =	sst s1  }
0xa: {  	[smem:$0x3FAC] =	sst s2  }
0xb: {  	[smem:$0x3FAD] =	sst s3  }
0xc: {  	[smem:$0x3FAE] =	sst s4  }
0xd: {  	[smem:$0x3FAF] =	sst s5  }
0xe: {  	[smem:$0x3FB0] =	sst s6  }
0xf: {  	[smem:$0x3FB1] =	sst s7  }
0x10: {  	[smem:$0x3FB2] =	sst s8  }
0x11: {  	[smem:$0x3FB3] =	sst s9;
	s0 =	simm.s32 @!p0 $0x0  }
0x12: {  	s1 =	sld [smem:$0x3F99];
	s0 =	simm.s32 @p0 $0x1  }
0x13: {  	[smem:$0x3FB4] =	sst s0;
	s0 =	simm.s32 @!p1 $0x0  }
0x14: {  	s2 =	sld [smem:$0x3F98];
	s0 =	simm.s32 @p1 $0x1  }
0x15: {  	[smem:$0x3FB5] =	sst s0;
	s0 =	simm.s32 @!p2 $0x0  }
0x16: {  	s3 =	sld [smem:$0x3FDB];
	s0 =	simm.s32 @p2 $0x1  }
0x17: {  	s4 =	simm.s32 $0x1BF5;
	[smem:$0x3FB7] =	sst s0  }
0x18: {  	s0 =	sld [smem:$0x3F9A];
	_ =	swait.ge [sflag:s4], $0x0  }
0x19: {  	s7 =	sld [smem:$0x3F9B]  }
0x1a: {  	s8 =	sadd.s32 $0xFFFFE003, lr  }
0x1b: {  	s9 =	sadd.s32 $0xFFFFFEF7, lr;
	s5 =	simm.s32 $0xFFFFFFFF;
	p2 =	slt.u32 s8, $0xFFFFF086  }
0x1c: {  	p1 =	slt.u32 s9, $0xF7A;
	s5 =	simm.s32 @!p2 $0x0  }
0x1d: {  	s5 =	simm.s32 @p1 $0x1;
	p0 =	seq.s32 s7, s2  }
0x1e: {  	s7 =	smul.u32 @!p0 $0xF7A, s2;
	p2 =	seq.s32 @!p0 s5, $0x0  }
0x1f: {  	s9 =	smul.u32 $0xF7A, s1;
	s8 =	simm.s32 @!p0 $0x1BF5;
	p2 =	por !p2, p0  }
0x20: {  	[sflag:s8] =	ssyncset.s32 @!p0 $0xFFFFF086;
	s6 =	sadd.s32 @!p0 s3, s7;
	s7 =	simm.s32 @!p0 $0x108  }
0x21: {  	s3 =	sadd.s32 s3, s9;
	s6 =	sadd.s32 @!p0 $0x88, s6;
	s7 =	simm.s32 @p2 $0x1082  }
0x22: {  	[simem:s7], [sflag:s8] =	dma.local @!p0 [hbm:s6], $0xF7A  }
0x23: {  	s9 =	sor.u32 $0xD0000000, s2;
	s6 =	simm.s32 $0x108;
	_ =	swait.ge @!p0 [sflag:s8], $0x0  }
0x24: {  	s3 =	sadd.s32 $0x88, s3;
	s6 =	simm.s32 @!p1 $0x1082;
	[sflag:s4] =	ssyncset.s32 $0xFFFFF086  }
0x25: {  	[simem:s6], [sflag:s4] =	dma.local [hbm:s3], $0xF7A  }
0x26: {  	[smem:$0x3F9B] =	sst s1;
	(tag) =	ssettag s2;
	_ =	strace s9  }
0x27: {  	s1 =	sld [smem:$0x3FAB]  }
0x28: {  	s2 =	sld [smem:$0x3FAC]  }
0x29: {  	s4 =	sld [smem:$0x3FAE]  }
0x2a: {  	p0 =	seq.s32 s5, $0x0;
	s5 =	sld [smem:$0x3FAF]  }
0x2b: {  	s6 =	sld [smem:$0x3FB0]  }
0x2c: {  	s7 =	sld [smem:$0x3FB1]  }
0x2d: {  	s3 =	simm.s32 $0x108;
	s8 =	sld [smem:$0x3FB2]  }
0x2e: {  	s3 =	simm.s32 @!p0 $0x1082;
	s9 =	sld [smem:$0x3FB3]  }
0x2f: {  	lr =	sadd.s32 s0, s3;
	s0 =	sld [smem:$0x3FAA]  }
0x30: {  	s3 =	sld [smem:$0x3FAD]  }
0x31: {  	[smem:$0x3FB6] =	sst s10  }
0x32: {  	s10 =	sld [smem:$0x3FB4];
	_ =	sdelay $0x3  }
0x33: {  	p0 =	seq.s32 s10, $0x1;
	s10 =	sld [smem:$0x3FB6];
	_ =	sdelay $0x3  }
0x34: {  	[smem:$0x3FB6] =	sst s10  }
0x35: {  	s10 =	sld [smem:$0x3FB5];
	_ =	sdelay $0x3  }
0x36: {  	p1 =	seq.s32 s10, $0x1;
	s10 =	sld [smem:$0x3FB6];
	_ =	sdelay $0x3  }
0x37: {  	[smem:$0x3FB6] =	sst s10  }
0x38: {  	s10 =	sld [smem:$0x3FB7]  }
0x39: {  	_ = 	snop;
	(pc) =	sbr.ind lr, $3  }
0x3a: {  	_ = 	snop  }
0x3b: {  	_ = 	snop  }
0x3c: {  	p2 =	seq.s32 s10, $0x1;
	s10 =	sld [smem:$0x3FB6]  }
0x3d: {  	_ =	shalt  }
0x3e: {  	_ =	shalt  }
0x3f: {  	_ =	shalt  }
0x40: {  	_ =	shalt  }
0x41: {  	_ =	shalt  }
0x42: {  	_ =	shalt  }
0x43: {  	_ =	shalt  }
0x44: {  	_ =	shalt  }
0x45: {  	_ =	shalt  }
0x46: {  	_ =	shalt  }
0x47: {  	_ =	shalt  }
0x48: {  	_ =	shalt  }
0x49: {  	_ =	shalt  }
0x4a: {  	_ =	shalt  }
0x4b: {  	_ =	shalt  }
0x4c: {  	_ =	shalt  }
0x4d: {  	_ =	shalt  }
0x4e: {  	_ =	shalt  }
0x4f: {  	_ =	shalt  }
0x50: {  	_ =	shalt  }
0x51: {  	_ =	shalt  }
0x52: {  	_ =	shalt  }
0x53: {  	_ =	shalt  }
0x54: {  	_ =	shalt  }
0x55: {  	_ =	shalt  }
0x56: {  	_ =	shalt  }
0x57: {  	_ =	shalt  }
0x58: {  	_ =	shalt  }
0x59: {  	_ =	shalt  }
0x5a: {  	_ =	shalt  }
0x5b: {  	_ =	shalt  }
0x5c: {  	_ =	shalt  }
0x5d: {  	_ =	shalt  }
0x5e: {  	_ =	shalt  }
0x5f: {  	_ =	shalt  }
0x60: {  	_ =	shalt  }
0x61: {  	_ =	shalt  }
0x62: {  	_ =	shalt  }
0x63: {  	_ =	shalt  }
0x64: {  	_ =	shalt  }
0x65: {  	_ =	shalt  }
0x66: {  	_ =	shalt  }
0x67: {  	_ =	shalt  }
0x68: {  	_ =	shalt  }
0x69: {  	_ =	shalt  }
0x6a: {  	_ =	shalt  }
0x6b: {  	_ =	shalt  }
0x6c: {  	_ =	shalt  }
0x6d: {  	_ =	shalt  }
0x6e: {  	_ =	shalt  }
0x6f: {  	_ =	shalt  }
0x70: {  	_ =	shalt  }
0x71: {  	_ =	shalt  }
0x72: {  	_ =	shalt  }
0x73: {  	_ =	shalt  }
0x74: {  	_ =	shalt  }
0x75: {  	_ =	shalt  }
0x76: {  	_ =	shalt  }
0x77: {  	_ =	shalt  }
0x78: {  	_ =	shalt  }
0x79: {  	_ =	shalt  }
0x7a: {  	_ =	shalt  }
0x7b: {  	_ =	shalt  }
0x7c: {  	_ =	shalt  }
0x7d: {  	_ =	shalt  }
0x7e: {  	_ =	shalt  }
0x7f: {  	_ =	shalt  }
0x80: {  	_ =	shalt  }
0x81: {  	_ =	shalt  }
0x82: {  	_ =	shalt  }
0x83: {  	_ =	shalt  }
0x84: {  	_ =	shalt  }
0x85: {  	_ =	shalt  }
0x86: {  	_ =	shalt  }
0x87: {  	_ =	shalt  }
.Lfunc_end0:
.L_simem_size_0:
called_computation.1_lowered:
.L_overlay_start_0:
0x88: {  	s2 =	sld [smem:$0x3FD9]  }
0x89: {  	s3 =	sld [smem:$0x3FFE];
	_ =	sdelay $0x1  }
0x8a: {  	s1 =	srdreg.scid  }
0x8b: {  	s0 =	sand.u32 $0x1, s1  }
0x8c: {  	s17 =	sshll.u32 s0, $0xA;
	s2 =	sadd.s32 s3, s2  }
0x8d: {  	s2 =	sadd.s32 s2, s17  }
0x8e: {  	[smem:$0x3FC2] =	sst s2  }
0x8f: {  	_ = 	snop  }
0x90: {  	s2 =	sld [smem:$0x3FD0];
	(tm) =	ssettm $0x1  }
0x91: {  	s18 =	sld [smem:$0x3FFB];
	_ =	sdelay $0x3  }
0x92: {  	_ =	strace s18  }
0x93: {  	s3 =	sld [smem:$0x3FFC];
	_ =	sdelay $0x3  }
0x94: {  	_ =	strace s3  }
0x95: {  	s3 =	sld [smem:$0x3FFD];
	_ =	sdelay $0x3  }
0x96: {  	_ =	strace s3  }
0x97: {  	_ =	strace $0x8FFFFFFF  }
0x98: {  	s19 =	sld [smem:$0x3FDB];
	_ =	sdelay $0x1  }
0x99: {  	s4 =	simm.s32 $_scs_section_size  }
0x9a: {  	s5 =	simm.s32 $_size__tile_overlayer_lowered;
	s6 =	simm.s32 $_tile_overlayer_lowered  }
0x9b: {  	s22 =	simm.s32 $0x1BFF;
	s21 =	sshll.u32 s6, $0x1;
	s3 =	sadd.s32 s4, s19  }
0x9c: {  	s7 =	simm.s32 $0x0;
	s20 =	sshll.u32 s5, $0x1;
	s5 =	sadd.s32 s21, s3  }
0x9d: {  	[timem:s7], [sflag:s22] =	dma.local [hbm:s5], s20  }
0x9e: {  	_ =	swait.ge [sflag:s22], s20  }
0x9f: {  	s4 =	ssub.s32 $0x0, s20;
	[sflag:s22] =	ssyncset.done $0x0  }
0xa0: {  	[sflag:s22] =	ssyncadd.s32 s4;
	_ =	sdelay $0x1  }
0xa1: {  	s23 =	simm.s32 $0x1B8B  }
0xa2: {  	_ =	swait.ge [sflag:s23], $0x1  }
0xa3: {  	[sflag:s23] =	ssyncset.done $0x0  }
0xa4: {  	s25 =	simm.s32 $0x1B8E;
	s24 =	sld [smem:$0x3FFE];
	[sflag:s23] =	ssyncadd.s32 $0xFFFFFFFF  }
0xa5: {  	s26 =	simm.s32 $execute0_lowered;
	[smem:$0x3FD2] =	sst s25  }
0xa6: {  	s5 =	sshll.u32 s26, $0x1;
	_ =	strace $0x80000046;
	[dreg:$0x1] =	wrdreg $0xFFFFFFFF  }
0xa7: {  	s28 =	simm.s32 $_size_execute0_lowered;
	s3 =	sadd.s32 s3, s5;
	[dreg:$0x0] =	wrdreg $0x0  }
0xa8: {  	s5 =	sshll.u32 s28, $0x1;
	[dreg:$0x2] =	wrdreg s3  }
0xa9: {  	[dreg:$0x3] =	wrdreg s5  }
0xaa: {  	[dreg:$0x4] =	wrdreg $0xC0  }
0xab: {  	_ =	task [dreg:s7], $0x5FFFF  }
0xac: {  	[dreg:$0x1] =	wrdreg $0xFFFFFFFF  }
0xad: {  	[dreg:$0x0] =	wrdreg $0x60  }
0xae: {  	[dreg:$0x2] =	wrdreg s24  }
0xaf: {  	[dreg:$0x3] =	wrdreg s2  }
0xb0: {  	[dreg:$0x4] =	wrdreg $0x9  }
0xb1: {  	_ =	task.clear_ibuf [dreg:s7], $0x5FFFF;
	_ =	strace $0x90000046  }
0xb2: {  	s29 =	simm.s32 $0x9;
	_ =	strace $0x80000048  }
0xb3: {  	_ =	swait.ge [sflag:s29], $0x1  }
0xb4: {  	[sflag:s29] =	ssyncadd.s32 $0xFFFFFFFF  }
0xb5: {  	_ =	strace $0x90000048  }
0xb6: {  	_ =	sfence  }
0xb7: {  	s30 =	sld [smem:$0x0];
	_ =	sdelay $0x2  }
0xb8: {  	s31 =	sshll.u32 s1, $0xD;
	s1 =	sshrl.u32 s1, $0x2  }
0xb9: {  	s3 =	sand.u32 $0x4000, s31;
	s1 =	sadd.s32 s1, s30  }
0xba: {  	s0 =	sor.u32 s3, s0;
	s1 =	sshll.u32 s1, $0x11  }
0xbb: {  	s0 =	sor.u32 s1, s0  }
0xbc: {  	s0 =	sadd.s32 $0x8F2B, s0  }
0xbd: {  	[sflag:s0] =	ssyncadd.remote.s32 $0x1  }
0xbe: {  	_ =	sfence.sel $0xFFFF  }
0xbf: {  	[dreg:$0x0] =	wrdreg $0xFFFFFFFF;
	(pc) =	sbr.abs _section_cstart, $3  }
0xc0: {  	[dreg:$0x1] =	wrdreg $0xFFFFFFFF  }
0xc1: {  	_ =	task.clear_ibuf [dreg:s7], $0x2FFFF;
	_ =	strace $0x9FFFFFFF  }
0xc2: {  	(tm) =	ssettm $0x7FFFFFFF  }
0xc3: {  	_ =	shalt  }
tec
execute0_lowered:
.L_overlay_start_1:
0x0: {  	(tag) =	ssettag $0x1  }
0x1: {  	s4 =	rddreg [dreg:$0x0]  }
0x2: {  	s6 =	rddreg [dreg:$0x1]  }
0x3: {  	s0 =	rddreg [dreg:$0x2];
	s3 =	srdreg.scid  }
0x4: {  	s1 =	stileid.u32;
	s2 =	simm.s32 $0x0;
	s10 =	simm.s32 $0x80  }
0x5: {  	s11 =	simm.s32 $0x400;
	s12 =	simm.s32 $0x2400;
	s13 =	simm.s32 $0xC00  }
0x6: {  	s14 =	simm.s32 $0x280;
	s15 =	simm.s32 $0x2C00;
	s16 =	simm.s32 $0x100  }
0x7: {  	s17 =	simm.s32 $0x1400;
	s18 =	simm.s32 $0x300;
	s19 =	simm.s32 $0x3400  }
0x8: {  	s20 =	simm.s32 $0x180;
	s21 =	simm.s32 $0x1C00;
	s22 =	simm.s32 $0x380  }
0x9: {  	s23 =	simm.s32 $0x3C00;
	s24 =	simm.s32 $0x1;
	s25 =	simm.s32 $0x0  }
0xa: {  	s3 =	sand.u32 $0x1, s3;
	s5 =	sshll.u32 s1, $0x1;
	[smem:$0x7FF] =	sst s2  }
0xb: {  	s5 =	sor.u32 s3, s5;
	_ =	strace $0x80000047;
	s8 =	ssub.s32 $0x2, s3  }
0xc: {  	s3 =	sadd.s32 $0x1C00, s4;
	s7 =	sshll.u32 s5, $0x6;
	s31 =	sshrl.u32 s8, $0x1  }
0xd: {  	s9 =	sshll.u32 s5, $0xA;
	s7 =	sadd.s32 s7, s4;
	s8 =	ssub.s32 s8, s31  }
0xe: {  	s6 =	sadd.s32 s6, s9;
	s9 =	simm.s32 $0x200;
	s4 =	sadd.s32 $0x1400, s7  }
0xf: {  	s5 =	sadd.s32 $0xC00, s7;
	s7 =	smax.u32 s8, $0x1;
	s8 =	simm.s32 $0x2  }
.LBB2_1:
0x10: {  	[tilespmem:s2], [sflag:$0x2] =	stream.linear.gather [hbm4b:s4+s2], $0x200, $0x38;
	[tilespmem:$0x4400] =	vst v63  }
0x11: {  	_ =	swait.ge [sflag:s8], $0x200  }
0x12: {  	[sflag:s8] =	ssyncset.done $0x0  }
0x13: {  	[sflag:s8] =	ssyncadd.s32 $0xFFFFFE00  }
0x14: {  	[tilespmem:s9], [sflag:$0x2] =	stream.linear.gather [hbm4b:s5+s2], $0x200, $0x38;
	[tilespmem:$0x4400] =	vst v63  }
0x15: {  	_ =	swait.ge [sflag:s8], $0x200  }
0x16: {  	[sflag:s8] =	ssyncset.done $0x0  }
0x17: {  	[sflag:s8] =	ssyncadd.s32 $0xFFFFFE00  }
0x18: {  	[tilespmem:s11], [sflag:$0x1] =	stream.indirect.gather [hbm4b:s3+s10], $0x10, s2, s10, $0xb8;
	[tilespmem:$0x4400] =	vst v63  }
0x19: {  	_ = 	snop  }
0x1a: {  	[tilespmem:s12], [sflag:$0x1] =	stream.indirect.gather [hbm4b:s3+s10], $0x10, s9, s10, $0xb8;
	[tilespmem:$0x4400] =	vst v63  }
0x1b: {  	_ = 	snop  }
0x1c: {  	[tilespmem:s13], [sflag:$0x1] =	stream.indirect.gather [hbm4b:s3+s10], $0x10, s10, s10, $0xb8;
	[tilespmem:$0x4400] =	vst v63  }
0x1d: {  	_ = 	snop  }
0x1e: {  	[tilespmem:s15], [sflag:$0x1] =	stream.indirect.gather [hbm4b:s3+s10], $0x10, s14, s10, $0xb8;
	[tilespmem:$0x4400] =	vst v63  }
0x1f: {  	_ = 	snop  }
0x20: {  	[tilespmem:s17], [sflag:$0x1] =	stream.indirect.gather [hbm4b:s3+s10], $0x10, s16, s10, $0xb8;
	[tilespmem:$0x4400] =	vst v63  }
0x21: {  	_ = 	snop  }
0x22: {  	[tilespmem:s19], [sflag:$0x1] =	stream.indirect.gather [hbm4b:s3+s10], $0x10, s18, s10, $0xb8;
	[tilespmem:$0x4400] =	vst v63  }
0x23: {  	_ = 	snop  }
0x24: {  	[tilespmem:s21], [sflag:$0x1] =	stream.indirect.gather [hbm4b:s3+s10], $0x10, s20, s10, $0xb8;
	[tilespmem:$0x4400] =	vst v63  }
0x25: {  	_ = 	snop  }
0x26: {  	[tilespmem:s23], [sflag:$0x1] =	stream.indirect.gather [hbm4b:s3+s10], $0x10, s22, s10, $0xb8;
	[tilespmem:$0x4400] =	vst v63  }
0x27: {  	_ =	swait.ge [sflag:s24], $0x800  }
0x28: {  	[sflag:s24] =	ssyncset.done $0x0  }
0x29: {  	[sflag:s24] =	ssyncadd.s32 $0xFFFFF800  }
0x2a: {  	_ =	swait.ge [sflag:s24], $0x800  }
0x2b: {  	[sflag:s24] =	ssyncset.done $0x0  }
0x2c: {  	[sflag:s24] =	ssyncadd.s32 $0xFFFFF800  }
0x2d: {  	_ =	swait.ge [sflag:s24], $0x800  }
0x2e: {  	[sflag:s24] =	ssyncset.done $0x0  }
0x2f: {  	[sflag:s24] =	ssyncadd.s32 $0xFFFFF800  }
0x30: {  	_ =	swait.ge [sflag:s24], $0x800  }
0x31: {  	[sflag:s24] =	ssyncset.done $0x0  }
0x32: {  	[sflag:s24] =	ssyncadd.s32 $0xFFFFF800  }
0x33: {  	_ =	swait.ge [sflag:s24], $0x800  }
0x34: {  	[sflag:s24] =	ssyncset.done $0x0  }
0x35: {  	[sflag:s24] =	ssyncadd.s32 $0xFFFFF800  }
0x36: {  	_ =	swait.ge [sflag:s24], $0x800  }
0x37: {  	[sflag:s24] =	ssyncset.done $0x0  }
0x38: {  	[sflag:s24] =	ssyncadd.s32 $0xFFFFF800  }
0x39: {  	_ =	swait.ge [sflag:s24], $0x800  }
0x3a: {  	[sflag:s24] =	ssyncset.done $0x0  }
0x3b: {  	[sflag:s24] =	ssyncadd.s32 $0xFFFFF800  }
0x3c: {  	_ =	swait.ge [sflag:s24], $0x800  }
0x3d: {  	[sflag:s24] =	ssyncset.done $0x0  }
0x3e: {  	s26 =	simm.s32 $0x0;
	[sflag:s24] =	ssyncadd.s32 $0xFFFFF800  }
0x3f: {  	v5 =	vld [tilespmem:s26+$0x2400]  }
0x40: {  	v6 =	vld [tilespmem:s26+$0x2410]  }
0x41: {  	v1 =	vld [tilespmem:s26+$0x2420]  }
0x42: {  	v0 =	vld [tilespmem:s26+$0x2430]  }
0x43: {  	v2 =	vld [tilespmem:s26+$0x400]  }
0x44: {  	v4 =	vld [tilespmem:s26+$0x410]  }
0x45: {  	s28 =	simm.s32 $0x100;
	v3 =	vld [tilespmem:s26+$0x420]  }
.LBB2_2:
0x46: {  	s29 =	sshra.s32 s28, $0x2;
	p0 =	sne.s32 s28, $0x7F00;
	v7 =	vld [tilespmem:s26+$0x430];
	v8 =	vmov v1  }
0x47: {  	v9 =	vld [tilespmem:s29+$0x2400];
	v10 =	vmov v0  }
0x48: {  	v11 =	vld [tilespmem:s29+$0x2410];
	v2 =	vadd.f32 v5, v2  }
.Ltmp0:
0x49: {  	v1 =	vld [tilespmem:s29+$0x2420];
	v4 =	vadd.f32 v6, v4;
	(pc) =	sbr.rel @p0 .LBB2_2-.Ltmp0, $4  }
0x4a: {  	v0 =	vld [tilespmem:s29+$0x2430];
	[tilespmem:s26+$0x400] =	vst v2;
	v3 =	vadd.f32 v8, v3  }
0x4b: {  	v2 =	vld [tilespmem:s29+$0x400];
	[tilespmem:s26+$0x410] =	vst v4;
	v7 =	vadd.f32 v10, v7  }
0x4c: {  	v4 =	vld [tilespmem:s29+$0x410];
	[tilespmem:s26+$0x420] =	vst v3;
	v5 =	vmov v9  }
0x4d: {  	s28 =	sadd.s32 $0x100, s28;
	v3 =	vld [tilespmem:s29+$0x420];
	[tilespmem:s26+$0x430] =	vst v7;
	v6 =	vmov v11;
	s26 =	smov.u32 s29  }
0x4e: {  	v7 =	vld [tilespmem:s26+$0x430];
	_ =	sdelay $0x1  }
0x4f: {  	v2 =	vadd.f32 v5, v2  }
0x50: {  	v4 =	vadd.f32 v6, v4  }
0x51: {  	[tilespmem:s26+$0x400] =	vst v2;
	v1 =	vadd.f32 v1, v3  }
0x52: {  	s25 =	sadd.s32 $0x1, s25;
	[tilespmem:s26+$0x410] =	vst v4;
	v0 =	vadd.f32 v0, v7  }
0x53: {  	p0 =	sne.s32 s25, s7;
	[tilespmem:s26+$0x420] =	vst v1  }
.Ltmp1:
0x54: {  	[tilespmem:s26+$0x430] =	vst v0;
	(pc) =	sbr.rel @p0 .LBB2_1-.Ltmp1, $4  }
0x55: {  	[hbm4b:s6+s2] =	stream.linear.scatter [tilespmem:s11], [sflag:$0x2], $0x2000, $0x38;
	[tilespmem:$0x4400] =	vst v63  }
0x56: {  	_ =	swait.ge [sflag:s8], $0x2000  }
0x57: {  	[sflag:s8] =	ssyncset.done $0x0  }
0x58: {  	[sflag:s8] =	ssyncadd.s32 $0xFFFFE000  }
0x59: {  	_ =	sfence.sel $0x180000  }
0x5a: {  	[bflag:$0x0] =	sbarrier.arrive $0xFFFF  }
0x5b: {  	p0 =	sne.s32 s1, $0x0;
	_ =	strace $0x90000047  }
0x5c: {  	s0 =	sadd.s32 @!p0 $0x100000, s0;
	[bflag:$0x2] =	sbarrier.arrive $0xFFFF  }
0x5d: {  	[sflag:s0] =	ssyncadd.tile.s32 @!p0 $0x1;
	_ =	shalt  }
.Lfunc_end2:
_tile_overlayer_lowered:
.L_overlay_start_2:
0x5e: {  	(tag) =	ssettag $0x2  }
0x5f: {  	s0 =	rddreg [dreg:$0x0];
	s2 =	stileid.u32  }
0x60: {  	s1 =	rddreg [dreg:$0x1];
	p0 =	sne.s32 s2, $0x0  }
0x61: {  	s3 =	rddreg [dreg:$0x2];
	[bflag:$0x3] =	sbarrier.arrive $0xFFFF;
	s2 =	simm.s32 @!p0 $0x1C02  }
0x62: {  	[timem:s3], [sflag:s2] =	dma.local @!p0 [hbm:s0], s1  }
0x63: {  	s0 =	simm.s32 @!p0 $0x2  }
0x64: {  	_ =	swait.ge @!p0 [sflag:s0], s1  }
0x65: {  	s1 =	ssub.s32 @!p0 $0x0, s1;
	[sflag:s0] =	ssyncset.done @!p0 $0x0  }
0x66: {  	[sflag:s0] =	ssyncadd.s32 @!p0 s1  }
0x67: {  	[bflag:$0x3] =	sbarrier.arrive $0xFFFF  }
0x68: {  	_ =	shalt  }

// kernel: sparse-core-data-format-call.cloned.1.call-start
scs
called_computation_lowered:
.L_overlay_start_0:
0x0: {  	s2 =	sld [smem:$0x3FD9]  }
0x1: {  	s3 =	sld [smem:$0x3FFE];
	_ =	sdelay $0x1  }
0x2: {  	s1 =	srdreg.scid  }
0x3: {  	s0 =	sand.u32 $0x1, s1  }
0x4: {  	s18 =	sshll.u32 s0, $0xA;
	s2 =	sadd.s32 s3, s2  }
0x5: {  	s2 =	sadd.s32 s2, s18  }
0x6: {  	[smem:$0x3FC2] =	sst s2  }
0x7: {  	_ = 	snop  }
0x8: {  	s2 =	sld [smem:$0x3FD0];
	(tm) =	ssettm $0x1  }
0x9: {  	s19 =	sld [smem:$0x3FFB];
	_ =	sdelay $0x3  }
0xa: {  	_ =	strace s19  }
0xb: {  	s3 =	sld [smem:$0x3FFC];
	_ =	sdelay $0x3  }
0xc: {  	_ =	strace s3  }
0xd: {  	s3 =	sld [smem:$0x3FFD];
	_ =	sdelay $0x3  }
0xe: {  	_ =	strace s3  }
0xf: {  	_ =	strace $0x8FFFFFFF  }
0x10: {  	s20 =	sld [smem:$0x3FDB];
	_ =	sdelay $0x1  }
0x11: {  	s4 =	simm.s32 $_scs_section_size  }
0x12: {  	s5 =	simm.s32 $_size__tile_overlayer_lowered;
	s6 =	simm.s32 $_tile_overlayer_lowered  }
0x13: {  	s23 =	simm.s32 $0x1BFF;
	s22 =	sshll.u32 s6, $0x1;
	s3 =	sadd.s32 s4, s20  }
0x14: {  	s7 =	simm.s32 $0x0;
	s21 =	sshll.u32 s5, $0x1;
	s5 =	sadd.s32 s22, s3  }
0x15: {  	[timem:s7], [sflag:s23] =	dma.local [hbm:s5], s21  }
0x16: {  	_ =	swait.ge [sflag:s23], s21  }
0x17: {  	s4 =	ssub.s32 $0x0, s21;
	[sflag:s23] =	ssyncset.done $0x0  }
0x18: {  	[sflag:s23] =	ssyncadd.s32 s4;
	_ =	sdelay $0x1  }
0x19: {  	s24 =	simm.s32 $0x1B8B  }
0x1a: {  	_ =	swait.ge [sflag:s24], $0x1  }
0x1b: {  	[sflag:s24] =	ssyncset.done $0x0  }
0x1c: {  	s26 =	simm.s32 $0x1B8E;
	s25 =	sld [smem:$0x3FFE];
	[sflag:s24] =	ssyncadd.s32 $0xFFFFFFFF  }
0x1d: {  	s27 =	simm.s32 $execute0_lowered;
	[smem:$0x3FD2] =	sst s26  }
0x1e: {  	s5 =	sshll.u32 s27, $0x1;
	_ =	strace $0x80000049;
	[dreg:$0x1] =	wrdreg $0xFFFFFFFF  }
0x1f: {  	s28 =	simm.s32 $_size_execute0_lowered;
	s3 =	sadd.s32 s3, s5;
	[dreg:$0x0] =	wrdreg $0x0  }
0x20: {  	s5 =	sshll.u32 s28, $0x1;
	[dreg:$0x2] =	wrdreg s3  }
0x21: {  	[dreg:$0x3] =	wrdreg s5  }
0x22: {  	[dreg:$0x4] =	wrdreg $0xC0  }
0x23: {  	_ =	task [dreg:s7], $0x5FFFF  }
0x24: {  	[dreg:$0x1] =	wrdreg $0xFFFFFFFF  }
0x25: {  	[dreg:$0x0] =	wrdreg $0x60  }
0x26: {  	[dreg:$0x2] =	wrdreg s25  }
0x27: {  	[dreg:$0x3] =	wrdreg s2  }
0x28: {  	[dreg:$0x4] =	wrdreg $0x9  }
0x29: {  	_ =	task.clear_ibuf [dreg:s7], $0x5FFFF;
	_ =	strace $0x90000049  }
0x2a: {  	s29 =	simm.s32 $0x9;
	_ =	strace $0x8000004B  }
0x2b: {  	_ =	swait.ge [sflag:s29], $0x1  }
0x2c: {  	[sflag:s29] =	ssyncadd.s32 $0xFFFFFFFF  }
0x2d: {  	_ =	strace $0x9000004B  }
0x2e: {  	_ =	sfence  }
0x2f: {  	s30 =	sld [smem:$0x0];
	_ =	sdelay $0x2  }
0x30: {  	s31 =	sshll.u32 s1, $0xD;
	s1 =	sshrl.u32 s1, $0x2  }
0x31: {  	s3 =	sand.u32 $0x4000, s31;
	s1 =	sadd.s32 s1, s30  }
0x32: {  	s0 =	sor.u32 s3, s0;
	s1 =	sshll.u32 s1, $0x11  }
0x33: {  	s0 =	sor.u32 s1, s0  }
0x34: {  	s0 =	sadd.s32 $0x8F2B, s0  }
0x35: {  	[sflag:s0] =	ssyncadd.remote.s32 $0x1  }
0x36: {  	_ =	sfence.sel $0xFFFF  }
0x37: {  	[dreg:$0x0] =	wrdreg $0xFFFFFFFF;
	(pc) =	sbr.abs _section_cstart, $3  }
0x38: {  	[dreg:$0x1] =	wrdreg $0xFFFFFFFF  }
0x39: {  	_ =	task.clear_ibuf [dreg:s7], $0x2FFFF;
	_ =	strace $0x9FFFFFFF  }
0x3a: {  	(tm) =	ssettm $0x7FFFFFFF  }
0x3b: {  	_ =	shalt  }
tec
execute0_lowered:
.L_overlay_start_1:
0x0: {  	(tag) =	ssettag $0x1  }
0x1: {  	s0 =	srdreg.scid;
	s5 =	rddreg [dreg:$0x0]  }
0x2: {  	s3 =	rddreg [dreg:$0x1];
	s1 =	sshll.u32 s0, $0x4  }
0x3: {  	s7 =	simm.s32 $0x1;
	s0 =	stileid.u32;
	s1 =	sand.u32 $0x10, s1  }
0x4: {  	s8 =	simm.s32 $0x2;
	s15 =	simm.s32 $0x0;
	s1 =	sor.u32 s0, s1  }
0x5: {  	s14 =	simm.s32 $0x0;
	s9 =	simm.s32 $0x0;
	s2 =	sshll.u32 s1, $0x7  }
0x6: {  	s10 =	simm.s32 $0x0;
	s11 =	simm.s32 $0x0;
	s6 =	ssub.s32 $0x4000, s2  }
0x7: {  	s13 =	simm.s32 $0x0;
	s5 =	sadd.s32 $0xC00, s5;
	s4 =	sand.u32 $0xF80, s6  }
.Ltmp0:
0x8: {  	s1 =	rddreg [dreg:$0x2];
	p0 =	sne.s32 s4, $0x0;
	(pc) =	sbr.rel .LBB1_1-.Ltmp0, $4  }
0x9: {  	_ =	strace $0x8000004A;
	s6 =	sshrl.u32 s6, $0xC;
	s7 =	simm.s32 @!p0 $0x0  }
0xa: {  	s12 =	smov.u32 s2;
	s4 =	simm.s32 $0x1;
	s6 =	sadd.s32 s7, s6  }
0xb: {  	[sflag:s4] =	ssyncpa.u1 $0x0;
	p0 =	por $0x0, $0x0;
	s6 =	sshll.u32 s6, $0x3  }
0xc: {  	[sflag:s8] =	ssyncpa.u1 $0x0;
	s8 =	simm.s32 $0x20000;
	s7 =	sor.u32 $0x1, s6  }
.LBB1_4:
0xd: {  	s20 =	sshra.s32 s20, $0x2  }
0xe: {  	s28 =	sand.u32 $0x78, s10;
	s21 =	sshll.u32 s9, $0xE;
	s22 =	sshll.u32 s10, $0x3  }
0xf: {  	s24 =	sshll.u32 s9, $0x7;
	p1 =	sgt.s32 s9, $0x368;
	s30 =	sshra.s32 s9, $0x1F  }
0x10: {  	s26 =	sshra.s32 s10, $0x1F;
	s19 =	sadd.s32 s20, s19;
	s21 =	sand.u32 $0xFFFE0000, s21  }
0x11: {  	v5 =	vld [tilespmem:s17+$0xFFFFFFD0];
	[tilespmem:s18+$0x2040 ss:$0x81] =	vst.msk $0xffff, v4;
	s23 =	sand.u32 $0xFFFFFC00, s22;
	s29 =	sand.u32 $0x380, s24;
	s22 =	sand.u32 $0x3C00, s22  }
0x12: {  	v58 =	vld [tilespmem:s17+$0xFFFFFFE0];
	[tilespmem:s18+$0x2850 ss:$0x81] =	vst.msk $0xffff, v3;
	s21 =	sadd.s32 s23, s21;
	s20 =	sor.u32 s28, s22;
	s22 =	smov.u32 s9  }
0x13: {  	v59 =	vld [tilespmem:s17+$0xFFFFFFF0];
	[tilespmem:s18+$0x3060 ss:$0x81] =	vst.msk $0xffff, v2;
	s24 =	sand.u32 s30, s9;
	s21 =	sshrl.u32 s21, $0xE;
	s22 =	simm.s32 @!p1 $0x368  }
0x14: {  	v60 =	vld [tilespmem:s17+$0x0];
	[tilespmem:s18+$0x0 ss:$0x81] =	vst.msk $0xffff, v1;
	p1 =	sgt.s32 s10, $0x3F80;
	s31 =	ssub.s32 s22, s24;
	s22 =	smov.u32 s10  }
0x15: {  	v61 =	vld [tilespmem:s17+$0x10];
	[tilespmem:s19+$0x3870 ss:$0x81] =	vst.msk $0xffff, v0;
	s25 =	smulhi.u32 $0x418938, s21;
	s24 =	sand.u32 s26, s10;
	s22 =	simm.s32 @!p1 $0x3F80  }
0x16: {  	v62 =	vld [tilespmem:s17+$0x20];
	s20 =	sor.u32 s29, s20;
	[tilespmem:s19+$0x810 ss:$0x81] =	vst.msk $0xffff, v5;
	s27 =	sadd.s32 $0xFFFFFC98, s31;
	s22 =	ssub.s32 s22, s24  }
0x17: {  	v63 =	vld [tilespmem:s17+$0xFFFFFFC0];
	[tilespmem:s19+$0x1020 ss:$0x81] =	vst.msk $0xffff, v58;
	s18 =	ssub.s32 $0x3E8, s31;
	s28 =	smul.u32 $0x3E8, s25;
	s29 =	sadd.s32 $0xFFFFC080, s22  }
0x18: {  	[tilespmem:s19+$0x1830 ss:$0x81] =	vst.msk $0xffff, v59;
	p1 =	sgt.s32 s27, $0x7F;
	s22 =	ssub.s32 $0x4000, s22;
	p2 =	sgt.s32 s29, $0x7F  }
0x19: {  	s30 =	sand.u32 $0x7, s10;
	[tilespmem:s19+$0x2040 ss:$0x81] =	vst.msk $0xffff, v60;
	s18 =	simm.s32 @p1 $0x0;
	s22 =	simm.s32 @p2 $0x0  }
0x1a: {  	s20 =	sshrl.u32 s20, $0x3;
	[tilespmem:s19+$0x2850 ss:$0x81] =	vst.msk $0xffff, v61;
	s17 =	ssub.s32 s21, s28;
	s18 =	smul.u32 s22, s18  }
0x1b: {  	[tilespmem:s19+$0x3060 ss:$0x81] =	vst.msk $0xffff, v62;
	s20 =	sadd.s32 s3, s20;
	s21 =	sshll.u32 s30, $0x12;
	s17 =	sshll.u32 s17, $0xB  }
0x1c: {  	[tilespmem:s19+$0x0 ss:$0x81] =	vst.msk $0xffff, v63;
	s31 =	sor.u32 $0x400, s21;
	s17 =	sadd.s32 s17, s20;
	s18 =	sand.u32 $0x3FFFFFFF, s18  }
0x1d: {  	[hbm4b:s17+s31] =	stream.strided.scatter [tilespmem:s16], [sflag:$0x2], s18, s8, s31, $0x20;
	[tilespmem:$0x10100] =	vst v63  }
.LBB1_5:
0x1e: {  	p1 =	slt.u32 s13, $0x2  }
0x1f: {  	s17 =	smov.u32 s15;
	p2 =	sgt.s32 @!p1 s15, $0x368;
	s16 =	sshra.s32 @!p1 s15, $0x1F  }
0x20: {  	p3 =	sgt.s32 @!p1 s14, $0x3F80;
	s18 =	sshra.s32 @!p1 s14, $0x1F;
	p2 =	por !p2, p1  }
0x21: {  	s15 =	sand.u32 @!p1 s16, s15;
	p3 =	por !p3, p1;
	s16 =	smov.u32 s14  }
0x22: {  	s14 =	sand.u32 @!p1 s18, s14;
	s17 =	simm.s32 @p2 $0x368;
	s16 =	simm.s32 @p3 $0x3F80  }
0x23: {  	s15 =	ssub.s32 @!p1 s17, s15;
	s14 =	ssub.s32 @!p1 s16, s14  }
0x24: {  	s18 =	smov.u32 s12;
	s16 =	sadd.s32 @!p1 $0xFFFFFC98, s15;
	s17 =	sadd.s32 @!p1 $0xFFFFC080, s14  }
0x25: {  	s15 =	ssub.s32 @!p1 $0x3E8, s15;
	p2 =	sgt.s32 @!p1 s16, $0x7F;
	p3 =	sgt.s32 @!p1 s17, $0x7F  }
0x26: {  	s14 =	ssub.s32 @!p1 $0x4000, s14;
	p2 =	por !p2, p1;
	p3 =	por !p3, p1  }
0x27: {  	s16 =	sadd.s32 $0x80, s11;
	s15 =	simm.s32 @!p2 $0x0;
	s14 =	simm.s32 @!p3 $0x0  }
0x28: {  	p2 =	sgt.s32 s16, $0x3E7;
	s14 =	smul.u32 @!p1 s14, s15;
	s15 =	sadd.s32 $0x1000, s12  }
0x29: {  	s18 =	smov.u32 @p2 s15  }
0x2a: {  	s16 =	simm.s32 @p2 $0x0;
	p2 =	sgt.s32 s18, $0x3FFF  }
0x2b: {  	s18 =	smov.u32 @p2 s2;
	p2 =	sne.s32 s13, s7  }
.Ltmp1:
0x2c: {  	p0 =	por !p0, !p0;
	s17 =	simm.s32 @!p1 $0x2;
	(pc) =	sbr.rel @!p2 .LBB1_6-.Ltmp1, $4  }
0x2d: {  	s15 =	smov.u32 s9;
	s9 =	smov.u32 s11;
	s14 =	sand.u32 @!p1 $0x3FFFFFFF, s14  }
0x2e: {  	s11 =	smov.u32 s16;
	_ =	swait.ge @!p1 [sflag:s17], s14;
	s19 =	ssub.s32 @!p1 $0x0, s14  }
0x2f: {  	s14 =	smov.u32 s10;
	s13 =	sadd.s32 $0x1, s13;
	[sflag:s17] =	ssyncset.done @!p1 $0x0  }
0x30: {  	s10 =	smov.u32 s12;
	s12 =	smov.u32 s18;
	[sflag:s17] =	ssyncadd.s32 @!p1 s19  }
.LBB1_1:
0x31: {  	p1 =	sge.u32 s13, s6  }
0x32: {  	s31 =	sadd.s32 $0xFFFFFFFF, s13;
	s16 =	sshll.u32 @!p1 s12, $0xA  }
0x33: {  	s17 =	sshll.u32 @!p1 s11, $0x3;
	s18 =	sshll.u32 @!p1 s12, $0x7;
	s16 =	sand.u32 @!p1 $0xFFE000, s16  }
0x34: {  	s19 =	sand.u32 @!p1 $0x78, s11;
	s16 =	sadd.s32 @!p1 s16, s17;
	s17 =	sand.u32 @!p1 $0x380, s18  }
0x35: {  	s18 =	sxor.u32 @!p1 $0xFFFFFFFF, s13;
	s16 =	sand.u32 @!p1 $0xFFFC00, s16;
	s17 =	sor.u32 @!p1 s17, s19  }
0x36: {  	s18 =	sshll.u32 @!p1 s18, $0xE;
	s16 =	sor.u32 @!p1 s16, s17;
	s17 =	sand.u32 @!p1 $0x7, s11  }
0x37: {  	s19 =	simm.s32 @!p1 $0x2000;
	s16 =	sshrl.u32 @!p1 s16, $0x3;
	s17 =	sshll.u32 @!p1 s17, $0x12  }
0x38: {  	s18 =	sand.u32 @!p1 $0x4000, s18;
	s16 =	sadd.s32 @!p1 s5, s16;
	s17 =	sor.u32 @!p1 $0x400, s17  }
0x39: {  	[tilespmem:s18], [sflag:$0x1] =	stream.strided.gather @!p1 [hbm4b:s16+s17], $0x4000, s19, s17, $0x38;
	[tilespmem:$0x10100] =	vst v63  }
0x3a: {  	p1 =	sge.u32 s31, s6  }
.Ltmp2:
0x3b: {  	_ = 	snop;
	(pc) =	sbr.rel @p1 .LBB1_5-.Ltmp2, $1  }
0x3c: {  	_ =	sdelay $0x3  }
0x3d: {  	s16 =	simm.s32 $0x1  }
0x3e: {  	_ =	swait.ge [sflag:s4], $0x4000;
	s16 =	simm.s32 @!p0 $0x0  }
0x3f: {  	[sflag:s4] =	ssyncset.done $0x0;
	s17 =	sshll.u32 s16, $0xE  }
0x40: {  	[sflag:s4] =	ssyncadd.s32 $0xFFFFC000;
	s17 =	sor.u32 $0x40, s17  }
0x41: {  	s16 =	smul.u32 $0x10200, s16;
	v0 =	vld [tilespmem:s17+$0x30]  }
0x42: {  	v1 =	vld [tilespmem:s17+$0xFFFFFFD0]  }
0x43: {  	s16 =	sshrl.u32 s16, $0x2;
	v5 =	vld [tilespmem:s17+$0xFFFFFFE0]  }
0x44: {  	v6 =	vld [tilespmem:s17+$0xFFFFFFF0];
	s19 =	sor.u32 $0x8000, s16  }
0x45: {  	s31 =	sand.u32 $0x1, s13;
	v4 =	vld [tilespmem:s17+$0x0];
	s18 =	sadd.s32 $0x0, s19  }
0x46: {  	v3 =	vld [tilespmem:s17+$0x10];
	s16 =	smul.u32 $0x10200, s31;
	[tilespmem:s18+$0x3870 ss:$0x81] =	vst.msk $0xffff, v0  }
0x47: {  	v2 =	vld [tilespmem:s17+$0x20];
	[tilespmem:s18+$0x810 ss:$0x81] =	vst.msk $0xffff, v1  }
0x48: {  	s16 =	sshrl.u32 s16, $0x2;
	v1 =	vld [tilespmem:s17+$0xFFFFFFC0];
	[tilespmem:s18+$0x1020 ss:$0x81] =	vst.msk $0xffff, v5;
	s17 =	sadd.s32 $0x80, s17  }
0x49: {  	s20 =	simm.s32 $0x4;
	s21 =	simm.s32 $0x8;
	s16 =	sor.u32 $0x8000, s16;
	[tilespmem:s18+$0x1830 ss:$0x81] =	vst.msk $0xffff, v6;
	v0 =	vld [tilespmem:s17+$0x30]  }
.LBB1_3:
0x4a: {  	p1 =	sne.s32 s21, $0x1FC;
	v5 =	vld [tilespmem:s17+$0xFFFFFFD0];
	[tilespmem:s18+$0x2040 ss:$0x81] =	vst.msk $0xffff, v4  }
0x4b: {  	v6 =	vld [tilespmem:s17+$0xFFFFFFE0];
	[tilespmem:s18+$0x2850 ss:$0x81] =	vst.msk $0xffff, v3  }
0x4c: {  	s22 =	sshra.s32 s20, $0x2;
	s20 =	smov.u32 s21;
	v7 =	vld [tilespmem:s17+$0xFFFFFFF0];
	[tilespmem:s18+$0x3060 ss:$0x81] =	vst.msk $0xffff, v2  }
.Ltmp3:
0x4d: {  	v4 =	vld [tilespmem:s17+$0x0];
	[tilespmem:s18+$0x0 ss:$0x81] =	vst.msk $0xffff, v1;
	s18 =	sadd.s32 s22, s19;
	(pc) =	sbr.rel @p1 .LBB1_3-.Ltmp3, $4  }
0x4e: {  	v3 =	vld [tilespmem:s17+$0x10];
	[tilespmem:s18+$0x3870 ss:$0x81] =	vst.msk $0xffff, v0  }
0x4f: {  	[tilespmem:s18+$0x810 ss:$0x81] =	vst.msk $0xffff, v5;
	v2 =	vld [tilespmem:s17+$0x20]  }
0x50: {  	v1 =	vld [tilespmem:s17+$0xFFFFFFC0];
	[tilespmem:s18+$0x1020 ss:$0x81] =	vst.msk $0xffff, v6;
	s17 =	sadd.s32 $0x80, s17  }
0x51: {  	s21 =	sadd.s32 $0x4, s21;
	v0 =	vld [tilespmem:s17+$0x30];
	[tilespmem:s18+$0x1830 ss:$0x81] =	vst.msk $0xffff, v7  }
.Ltmp4:
0x52: {  	_ = 	snop;
	(pc) =	sbr.rel .LBB1_4-.Ltmp4, $1  }
0x53: {  	_ =	sdelay $0x3  }
.LBB1_6:
0x54: {  	_ =	sfence.sel $0x180000  }
0x55: {  	s2 =	simm.s32 $0x1;
	[bflag:$0x0] =	sbarrier.arrive $0xFFFF  }
0x56: {  	s31 =	simm.s32 $0x2;
	[sflag:s2] =	ssyncpa.u1 $0x1  }
0x57: {  	[sflag:s31] =	ssyncpa.u1 $0x1  }
0x58: {  	p0 =	sne.s32 s0, $0x0;
	_ =	strace $0x9000004A  }
0x59: {  	s0 =	sadd.s32 @!p0 $0x100000, s1;
	[bflag:$0x2] =	sbarrier.arrive $0xFFFF  }
0x5a: {  	[sflag:s0] =	ssyncadd.tile.s32 @!p0 $0x1;
	_ =	shalt  }
.Lfunc_end1:
_tile_overlayer_lowered:
.L_overlay_start_2:
0x5b: {  	(tag) =	ssettag $0x2  }
0x5c: {  	s0 =	rddreg [dreg:$0x0];
	s2 =	stileid.u32  }
0x5d: {  	s1 =	rddreg [dreg:$0x1];
	p0 =	sne.s32 s2, $0x0  }
0x5e: {  	s3 =	rddreg [dreg:$0x2];
	[bflag:$0x3] =	sbarrier.arrive $0xFFFF;
	s2 =	simm.s32 @!p0 $0x1C01  }
0x5f: {  	[timem:s3], [sflag:s2] =	dma.local @!p0 [hbm:s0], s1  }
0x60: {  	s0 =	simm.s32 @!p0 $0x1  }
0x61: {  	_ =	swait.ge @!p0 [sflag:s0], s1  }
0x62: {  	s1 =	ssub.s32 @!p0 $0x0, s1;
	[sflag:s0] =	ssyncset.done @!p0 $0x0  }
0x63: {  	[sflag:s0] =	ssyncadd.s32 @!p0 s1  }
0x64: {  	[bflag:$0x3] =	sbarrier.arrive $0xFFFF  }
0x65: {  	_ =	shalt  }

</sc_bundles>
